<compile_context>
chip_gen: v7x
topology: tpu7x:2x2x1
jax: 0.10.2.dev20260603
libtpu: 0.0.44.dev20260713+nightly
codegen_flags: <defaults>
</compile_context>

<pallas_src>
import functools

import jax
import jax.numpy as jnp
from jax import lax
from jax.experimental import pallas as pl
from jax.experimental.pallas import tpu as pltpu
from jax.experimental.pallas import tpu_sc as plsc

N = 10000
E = 320000
F_IN = 128
H = 64
G = 128
NC = 2
NS = 16
NW = NC * NS
CHUNK = 128
CPT = ((E + NW * CHUNK - 1) // (NW * CHUNK) + 7) // 8 * 8
E_PAD = NW * CPT * CHUNK
N_ACC = ((N + NS - 1) // NS + 7) // 8 * 8 * NS
ROWS_PER_TILE = N_ACC // NS
DEG_W = 16


def _mesh():
    return plsc.VectorSubcoreMesh(core_axis_name="c", subcore_axis_name="s",
                                  num_cores=NC, num_subcores=NS)



def _deg_body(dst_hbm, ones_hbm, zeros_hbm, out_hbm, dst_v, ones_v, acc):
    cid = lax.axis_index("c")
    sid = lax.axis_index("s")
    g = cid * NS + sid
    pltpu.sync_copy(dst_hbm.at[pl.ds(g * CPT, CPT)], dst_v)
    pltpu.sync_copy(ones_hbm, ones_v)
    pltpu.sync_copy(zeros_hbm.at[pl.ds(sid * ROWS_PER_TILE, ROWS_PER_TILE)],
                    acc.at[pl.ds(sid * ROWS_PER_TILE, ROWS_PER_TILE)])
    plsc.subcore_barrier()

    def body(j, carry):
        pltpu.sync_copy(ones_v, acc.at[dst_v.at[j]], add=True)
        return carry

    lax.fori_loop(0, CPT, body, 0)
    plsc.subcore_barrier()
    pltpu.sync_copy(acc.at[pl.ds(sid * ROWS_PER_TILE, ROWS_PER_TILE)],
                    out_hbm.at[cid, pl.ds(sid * ROWS_PER_TILE, ROWS_PER_TILE)])


def _sc_degree(dst2d, ones, zeros16):
    return pl.kernel(
        _deg_body,
        out_type=jax.ShapeDtypeStruct((NC, N_ACC, DEG_W), jnp.float32),
        mesh=_mesh(),
        scratch_types=[
            pltpu.VMEM((CPT, CHUNK), jnp.int32),
            pltpu.VMEM((CHUNK, DEG_W), jnp.float32),
            pltpu.VMEM_SHARED((N_ACC, DEG_W), jnp.float32),
        ],
        compiler_params=pltpu.CompilerParams(use_tc_tiling_on_sc=False),
    )(dst2d, ones, zeros16)


def _scatter_body(hp_hbm, src_hbm, dst_hbm, zeros_hbm, out_hbm,
                  src_v, dst_v, rows_v, acc, sem):
    cid = lax.axis_index("c")
    sid = lax.axis_index("s")
    g = cid * NS + sid
    pltpu.sync_copy(src_hbm.at[pl.ds(g * CPT, CPT)], src_v)
    pltpu.sync_copy(dst_hbm.at[pl.ds(g * CPT, CPT)], dst_v)
    pltpu.sync_copy(zeros_hbm.at[pl.ds(sid * ROWS_PER_TILE, ROWS_PER_TILE)],
                    acc.at[pl.ds(sid * ROWS_PER_TILE, ROWS_PER_TILE)])
    plsc.subcore_barrier()

    def body(j, carry):
        pltpu.async_copy(hp_hbm.at[src_v.at[j]], rows_v, sem).wait()
        pltpu.sync_copy(rows_v, acc.at[dst_v.at[j]], add=True)
        return carry

    lax.fori_loop(0, CPT, body, 0)
    plsc.subcore_barrier()
    pltpu.sync_copy(acc.at[pl.ds(sid * ROWS_PER_TILE, ROWS_PER_TILE)],
                    out_hbm.at[cid, pl.ds(sid * ROWS_PER_TILE, ROWS_PER_TILE)])


def _sc_scatter(hp, src2d, dst2d, zeros64):
    return pl.kernel(
        _scatter_body,
        out_type=jax.ShapeDtypeStruct((NC, N_ACC, H), jnp.float32),
        mesh=_mesh(),
        scratch_types=[
            pltpu.VMEM((CPT, CHUNK), jnp.int32),
            pltpu.VMEM((CPT, CHUNK), jnp.int32),
            pltpu.VMEM((CHUNK, H), jnp.float32),
            pltpu.VMEM_SHARED((N_ACC, H), jnp.float32),
            pltpu.SemaphoreType.DMA,
        ],
        compiler_params=pltpu.CompilerParams(use_tc_tiling_on_sc=False),
    )(hp, src2d, dst2d, zeros64)



def _dinv_from_deg(deg_ref):
    deg = deg_ref[0, :N, 0:1] + deg_ref[1, :N, 0:1] + 1.0
    return lax.rsqrt(deg)


def _tc_pre_body(x_ref, w_ref, deg_ref, hp_ref):
    dinv = _dinv_from_deg(deg_ref)
    h = jnp.dot(x_ref[...], w_ref[...], preferred_element_type=jnp.float32)
    hp_ref[...] = h * dinv


def _tc_pre(x, W1, degout):
    return pl.pallas_call(
        _tc_pre_body,
        out_shape=jax.ShapeDtypeStruct((N, H), jnp.float32),
    )(x, W1, degout)


def _combine_bn_relu(acc_ref, hp_ref, deg_ref, b_ref, g_ref, be_ref):
    dinv = _dinv_from_deg(deg_ref)
    m = dinv * (acc_ref[0, :N, :] + acc_ref[1, :N, :] + hp_ref[...]) + b_ref[...]
    mean = jnp.mean(m, axis=0, keepdims=True)
    var = jnp.mean((m - mean) ** 2, axis=0, keepdims=True)
    y = g_ref[...] * (m - mean) * lax.rsqrt(var + 1e-5) + be_ref[...]
    return jnp.maximum(y, 0.0), dinv


def _tc_mid_body(acc_ref, hp_ref, deg_ref, b_ref, g_ref, be_ref, w_ref, out_ref):
    h, dinv = _combine_bn_relu(acc_ref, hp_ref, deg_ref, b_ref, g_ref, be_ref)
    out_ref[...] = jnp.dot(h, w_ref[...], preferred_element_type=jnp.float32) * dinv


def _tc_mid(acc, hp, degout, b, gam, be, Wn):
    return pl.pallas_call(
        _tc_mid_body,
        out_shape=jax.ShapeDtypeStruct((N, H), jnp.float32),
    )(acc, hp, degout, b, gam, be, Wn)


def _tc_fin_body(acc_ref, hp_ref, deg_ref, b_ref, g_ref, be_ref, batch_ref,
                 cw1_ref, cb1_ref, cw2_ref, cb2_ref, out_ref):
    h, _ = _combine_bn_relu(acc_ref, hp_ref, deg_ref, b_ref, g_ref, be_ref)
    gid = lax.broadcasted_iota(jnp.int32, (G, N), 0)
    mask = (gid == batch_ref[...]).astype(jnp.float32)
    sums = jnp.dot(mask, h, preferred_element_type=jnp.float32)
    counts = jnp.sum(mask, axis=1, keepdims=True)
    pooled = sums / jnp.maximum(counts, 1.0)
    z = jnp.maximum(
        jnp.dot(pooled, cw1_ref[...], preferred_element_type=jnp.float32)
        + cb1_ref[...], 0.0)
    out_ref[...] = (
        jnp.dot(z, cw2_ref[...], preferred_element_type=jnp.float32)
        + cb2_ref[...])


def _tc_fin(acc, hp, degout, b, gam, be, batch2d, cW1, cb1, cW2, cb2):
    return pl.pallas_call(
        _tc_fin_body,
        out_shape=jax.ShapeDtypeStruct((G, 2), jnp.float32),
    )(acc, hp, degout, b, gam, be, batch2d, cW1, cb1, cW2, cb2)



def kernel(x, edge_index, batch, W1, b1, W2, b2, W3, b3,
           g1, be1, g2, be2, g3, be3, cW1, cb1, cW2, cb2):
    src = edge_index[0].astype(jnp.int32)
    dst = edge_index[1].astype(jnp.int32)
    pad = E_PAD - E
    src2d = jnp.concatenate([src, jnp.zeros((pad,), jnp.int32)]).reshape(
        NW * CPT, CHUNK)
    dst2d = jnp.concatenate([dst, jnp.full((pad,), N, jnp.int32)]).reshape(
        NW * CPT, CHUNK)
    ones = jnp.ones((CHUNK, DEG_W), jnp.float32)
    zeros16 = jnp.zeros((N_ACC, DEG_W), jnp.float32)
    zeros64 = jnp.zeros((N_ACC, H), jnp.float32)
    batch2d = batch.astype(jnp.int32).reshape(1, N)

    degout = _sc_degree(dst2d, ones, zeros16)

    hp = _tc_pre(x, W1, degout)
    for (b, gam, be, Wn) in ((b1, g1, be1, W2), (b2, g2, be2, W3)):
        acc = _sc_scatter(hp, src2d, dst2d, zeros64)
        hp = _tc_mid(acc, hp, degout, b.reshape(1, H), gam.reshape(1, H),
                     be.reshape(1, H), Wn)
    acc = _sc_scatter(hp, src2d, dst2d, zeros64)
    return _tc_fin(acc, hp, degout, b3.reshape(1, H), g3.reshape(1, H),
                   be3.reshape(1, H), batch2d, cW1, cb1.reshape(1, H // 2),
                   cW2, cb2.reshape(1, 2))

# --- scband reference (transcript-rebuilt; emitter-appended) ---
"""Pipeline reference for scband-gcn-42795054137778 (READ-ONLY COPY).

The authoritative reference and input builder live on the scoring server;
editing this copy changes nothing except your own understanding.
"""

import jax, jax.numpy as jnp
import numpy as np

NUM_GRAPHS = 128


def _gcn_conv(x, edge_index, W, b):
    N = x.shape[0]
    loops = jnp.arange(N, dtype=edge_index.dtype)
    src = jnp.concatenate([edge_index[0], loops])
    dst = jnp.concatenate([edge_index[1], loops])
    h = x @ W
    deg = jnp.zeros((N,), x.dtype).at[dst].add(1.0)
    dinv = jnp.where(deg > 0, 1.0 / jnp.sqrt(deg), 0.0)
    norm = dinv[src] * dinv[dst]
    msg = h[src] * norm[:, None]
    out = jnp.zeros_like(h).at[dst].add(msg)
    return out + b


def _batch_norm(x, gamma, beta, eps=1e-5):
    mean = jnp.mean(x, axis=0)
    var = jnp.var(x, axis=0)
    return gamma * (x - mean) / jnp.sqrt(var + eps) + beta


def setup_inputs(seed: int = 0):
    key = jax.random.key(seed)
    ks = [jax.random.fold_in(key, i) for i in range(20)]
    N, E, F_in, H, C = 10000, 320000, 128, 64, 2
    inp = {}
    inp['x'] = jax.random.normal(ks[0], (N, F_in), dtype=jnp.float32)
    inp['edge_index'] = jax.random.randint(ks[1], (2, E), 0, N, dtype=jnp.int64)
    inp['batch'] = jnp.sort(jax.random.randint(ks[2], (N,), 0, NUM_GRAPHS, dtype=jnp.int64))
    # GCNConv weights
    inp['W1'] = jax.random.normal(ks[3], (F_in, H), dtype=jnp.float32) / np.sqrt(F_in)
    inp['b1'] = jnp.zeros((H,), jnp.float32)
    inp['W2'] = jax.random.normal(ks[4], (H, H), dtype=jnp.float32) / np.sqrt(H)
    inp['b2'] = jnp.zeros((H,), jnp.float32)
    inp['W3'] = jax.random.normal(ks[5], (H, H), dtype=jnp.float32) / np.sqrt(H)
    inp['b3'] = jnp.zeros((H,), jnp.float32)
    # BatchNorm params
    for i in (1, 2, 3):
        inp[f'g{i}'] = jnp.ones((H,), jnp.float32)
        inp[f'be{i}'] = jnp.zeros((H,), jnp.float32)
    # Classifier: Linear(H, H//2) -> ReLU -> Linear(H//2, C)
    inp['cW1'] = jax.random.normal(ks[6], (H, H // 2), dtype=jnp.float32) / np.sqrt(H)
    inp['cb1'] = jnp.zeros((H // 2,), jnp.float32)
    inp['cW2'] = jax.random.normal(ks[7], (H // 2, C), dtype=jnp.float32) / np.sqrt(H // 2)
    inp['cb2'] = jnp.zeros((C,), jnp.float32)
    return inp


def reference(x, edge_index, batch, W1, b1, W2, b2, W3, b3, g1, be1, g2, be2, g3, be3, cW1, cb1, cW2, cb2):
    h = x
    for (W, b, g, be) in ((W1, b1, g1, be1), (W2, b2, g2, be2), (W3, b3, g3, be3)):
        h = _gcn_conv(h, edge_index, W, b)
        h = _batch_norm(h, g, be)
        h = jax.nn.relu(h)
        # dropout is identity in eval mode
    sums = jax.ops.segment_sum(h, batch, num_segments=NUM_GRAPHS)
    counts = jax.ops.segment_sum(jnp.ones((h.shape[0], 1), h.dtype), batch, num_segments=NUM_GRAPHS)
    pooled = sums / jnp.maximum(counts, 1.0)
    z = jax.nn.relu(pooled @ cW1 + cb1)
    return z @ cW2 + cb2

if __name__ == "__main__":
    import jax
    _d = setup_inputs()
    print(jax.jit(kernel)(*tuple(_d.values())))

</pallas_src>

<mosaic_0001>
#map = affine_map<(d0, d1) -> (0, 0)>
#map1 = affine_map<(d0, d1) -> (0, 0, 0)>
module attributes {stable_mosaic.version = 14 : i64} {
  func.func @_scatter_body(%arg0: i32, %arg1: i32, %arg2: memref<10000x64xf32, #tpu.memory_space<hbm>>, %arg3: memref<2560x128xi32, #tpu.memory_space<hbm>>, %arg4: memref<2560x128xi32, #tpu.memory_space<hbm>>, %arg5: memref<10112x64xf32, #tpu.memory_space<hbm>>, %arg6: memref<2x10112x64xf32, #tpu.memory_space<hbm>>, %arg7: memref<80x128xi32, #tpu.memory_space<vmem>>, %arg8: memref<80x128xi32, #tpu.memory_space<vmem>>, %arg9: memref<128x64xf32, #tpu.memory_space<vmem>>, %arg10: memref<10112x64xf32, #tpu.memory_space<vmem_shared>>, %arg11: memref<!tpu.dma_semaphore, #tpu.memory_space<semaphore_mem>>) attributes {dimension_semantics = [#tpu.dimension_semantics<core_parallel>, #tpu.dimension_semantics<subcore_parallel>], iteration_bounds = array<i64: 2, 16>, scalar_prefetch = 0 : i64, scratch_operands = 5 : i64, tpu.core_type = #tpu.core_type<sc_vector_subcore>, window_params = [{transform_indices = #map}, {transform_indices = #map}, {transform_indices = #map}, {transform_indices = #map}, {transform_indices = #map1}]} {
    %mul3A = arith.constant 16 : i32
    %mul3A_0 = arith.muli %arg0, %mul3A : i32
    %add3A = arith.addi %mul3A_0, %arg1 : i32
    %mul3A_1 = arith.constant 80 : i32
    %mul3A_2 = arith.muli %add3A, %mul3A_1 : i32
    "tpu.region"() ({
      %run_scoped3A = tpu.sem_alloc : memref<!tpu.dma_semaphore, #tpu.memory_space<semaphore_mem>>
      %dma_start3A = arith.constant 0 : i32
      %dma_start3A_19 = tpu.memref_slice %arg3[%mul3A_2, %dma_start3A] : memref<2560x128xi32, #tpu.memory_space<hbm>> -> memref<80x128xi32, #tpu.memory_space<hbm>>
      %dma_start3A_20 = arith.constant 0 : i32
      %dma_start3A_21 = tpu.memref_slice %arg3[%mul3A_2, %dma_start3A_20] : memref<2560x128xi32, #tpu.memory_space<hbm>> -> memref<80x128xi32, #tpu.memory_space<hbm>>
      tpu.enqueue_dma source(%dma_start3A_21 : memref<80x128xi32, #tpu.memory_space<hbm>>) target(%arg7 : memref<80x128xi32, #tpu.memory_space<vmem>>) target_semaphore(%run_scoped3A : memref<!tpu.dma_semaphore, #tpu.memory_space<semaphore_mem>>)
      %dma_wait3A = arith.constant 0 : i32
      %dma_wait3A_22 = tpu.memref_slice %arg3[%mul3A_2, %dma_wait3A] : memref<2560x128xi32, #tpu.memory_space<hbm>> -> memref<80x128xi32, #tpu.memory_space<hbm>>
      %dma_wait3A_23 = arith.constant 0 : i32
      %dma_wait3A_24 = tpu.memref_slice %arg3[%mul3A_2, %dma_wait3A_23] : memref<2560x128xi32, #tpu.memory_space<hbm>> -> memref<80x128xi32, #tpu.memory_space<hbm>>
      tpu.wait_dma2 semaphore(%run_scoped3A : memref<!tpu.dma_semaphore, #tpu.memory_space<semaphore_mem>>) src(%dma_wait3A_24 : memref<80x128xi32, #tpu.memory_space<hbm>>) dst(%arg7 : memref<80x128xi32, #tpu.memory_space<vmem>>)
      tpu.yield
    }) : () -> ()
    %mul3A_3 = arith.constant 80 : i32
    %mul3A_4 = arith.muli %add3A, %mul3A_3 : i32
    "tpu.region"() ({
      %run_scoped3A = tpu.sem_alloc : memref<!tpu.dma_semaphore, #tpu.memory_space<semaphore_mem>>
      %dma_start3A = arith.constant 0 : i32
      %dma_start3A_19 = tpu.memref_slice %arg4[%mul3A_4, %dma_start3A] : memref<2560x128xi32, #tpu.memory_space<hbm>> -> memref<80x128xi32, #tpu.memory_space<hbm>>
      %dma_start3A_20 = arith.constant 0 : i32
      %dma_start3A_21 = tpu.memref_slice %arg4[%mul3A_4, %dma_start3A_20] : memref<2560x128xi32, #tpu.memory_space<hbm>> -> memref<80x128xi32, #tpu.memory_space<hbm>>
      tpu.enqueue_dma source(%dma_start3A_21 : memref<80x128xi32, #tpu.memory_space<hbm>>) target(%arg8 : memref<80x128xi32, #tpu.memory_space<vmem>>) target_semaphore(%run_scoped3A : memref<!tpu.dma_semaphore, #tpu.memory_space<semaphore_mem>>)
      %dma_wait3A = arith.constant 0 : i32
      %dma_wait3A_22 = tpu.memref_slice %arg4[%mul3A_4, %dma_wait3A] : memref<2560x128xi32, #tpu.memory_space<hbm>> -> memref<80x128xi32, #tpu.memory_space<hbm>>
      %dma_wait3A_23 = arith.constant 0 : i32
      %dma_wait3A_24 = tpu.memref_slice %arg4[%mul3A_4, %dma_wait3A_23] : memref<2560x128xi32, #tpu.memory_space<hbm>> -> memref<80x128xi32, #tpu.memory_space<hbm>>
      tpu.wait_dma2 semaphore(%run_scoped3A : memref<!tpu.dma_semaphore, #tpu.memory_space<semaphore_mem>>) src(%dma_wait3A_24 : memref<80x128xi32, #tpu.memory_space<hbm>>) dst(%arg8 : memref<80x128xi32, #tpu.memory_space<vmem>>)
      tpu.yield
    }) : () -> ()
    %mul3A_5 = arith.constant 632 : i32
    %mul3A_6 = arith.muli %arg1, %mul3A_5 : i32
    %mul3A_7 = arith.constant 632 : i32
    %mul3A_8 = arith.muli %arg1, %mul3A_7 : i32
    "tpu.region"() ({
      %run_scoped3A = tpu.sem_alloc : memref<!tpu.dma_semaphore, #tpu.memory_space<semaphore_mem>>
      %dma_start3A = arith.constant 0 : i32
      %dma_start3A_19 = tpu.memref_slice %arg10[%mul3A_8, %dma_start3A] : memref<10112x64xf32, #tpu.memory_space<vmem_shared>> -> memref<632x64xf32, #tpu.memory_space<vmem_shared>>
      %dma_start3A_20 = arith.constant 0 : i32
      %dma_start3A_21 = tpu.memref_slice %arg5[%mul3A_6, %dma_start3A_20] : memref<10112x64xf32, #tpu.memory_space<hbm>> -> memref<632x64xf32, #tpu.memory_space<hbm>>
      tpu.enqueue_dma source(%dma_start3A_21 : memref<632x64xf32, #tpu.memory_space<hbm>>) target(%dma_start3A_19 : memref<632x64xf32, #tpu.memory_space<vmem_shared>>) target_semaphore(%run_scoped3A : memref<!tpu.dma_semaphore, #tpu.memory_space<semaphore_mem>>)
      %dma_wait3A = arith.constant 0 : i32
      %dma_wait3A_22 = tpu.memref_slice %arg10[%mul3A_8, %dma_wait3A] : memref<10112x64xf32, #tpu.memory_space<vmem_shared>> -> memref<632x64xf32, #tpu.memory_space<vmem_shared>>
      %dma_wait3A_23 = arith.constant 0 : i32
      %dma_wait3A_24 = tpu.memref_slice %arg5[%mul3A_6, %dma_wait3A_23] : memref<10112x64xf32, #tpu.memory_space<hbm>> -> memref<632x64xf32, #tpu.memory_space<hbm>>
      tpu.wait_dma2 semaphore(%run_scoped3A : memref<!tpu.dma_semaphore, #tpu.memory_space<semaphore_mem>>) src(%dma_wait3A_24 : memref<632x64xf32, #tpu.memory_space<hbm>>) dst(%dma_wait3A_22 : memref<632x64xf32, #tpu.memory_space<vmem_shared>>)
      tpu.yield
    }) : () -> ()
    %barrier3A = arith.constant 0 : index
    tpu.barrier barrier_id(%barrier3A)
    %scan3A = arith.constant 0 : i32
    %scan3A_9 = arith.constant 0 : i32
    %scan3A_10 = arith.constant 80 : i32
    %scan3A_11 = arith.addi %scan3A_9, %scan3A_10 : i32
    %scan3A_12 = arith.constant 1 : i32
    scf.for %scan3A_19 = %scan3A_9 to %scan3A_11 step %scan3A_12  : i32 {
      %dma_start3A = arith.constant 0 : i32
      %dma_start3A_20 = tpu.memref_slice %arg7[%scan3A_19, %dma_start3A] : memref<80x128xi32, #tpu.memory_space<vmem>> -> memref<1x128xi32, #tpu.memory_space<vmem>>
      %dma_start3A_21 = tpu.memref_squeeze %dma_start3A_20 : memref<1x128xi32, #tpu.memory_space<vmem>> -> memref<128xi32, #tpu.memory_space<vmem>>
      %dma_start3A_22 = arith.constant 0 : i32
      %dma_start3A_23 = arith.constant 0 : i32
      %dma_start3A_24 = tpu.memref_slice %arg2[%dma_start3A_22, %dma_start3A_23] : memref<10000x64xf32, #tpu.memory_space<hbm>> -> memref<10000x64xf32, #tpu.memory_space<hbm>>
      tpu.enqueue_indirect_dma source(%dma_start3A_24 : memref<10000x64xf32, #tpu.memory_space<hbm>>) target(%arg9 : memref<128x64xf32, #tpu.memory_space<vmem>>) offsets(%dma_start3A_21 : memref<128xi32, #tpu.memory_space<vmem>>) semaphore(%arg11 : memref<!tpu.dma_semaphore, #tpu.memory_space<semaphore_mem>>)
      %dma_wait3A = arith.constant 0 : i32
      %dma_wait3A_25 = tpu.memref_slice %arg7[%scan3A_19, %dma_wait3A] : memref<80x128xi32, #tpu.memory_space<vmem>> -> memref<1x128xi32, #tpu.memory_space<vmem>>
      %dma_wait3A_26 = tpu.memref_squeeze %dma_wait3A_25 : memref<1x128xi32, #tpu.memory_space<vmem>> -> memref<128xi32, #tpu.memory_space<vmem>>
      %dma_wait3A_27 = arith.constant 0 : i32
      %dma_wait3A_28 = arith.constant 0 : i32
      %dma_wait3A_29 = tpu.memref_slice %arg2[%dma_wait3A_27, %dma_wait3A_28] : memref<10000x64xf32, #tpu.memory_space<hbm>> -> memref<10000x64xf32, #tpu.memory_space<hbm>>
      tpu.wait_indirect_dma semaphore(%arg11 : memref<!tpu.dma_semaphore, #tpu.memory_space<semaphore_mem>>) src(%dma_wait3A_29 : memref<10000x64xf32, #tpu.memory_space<hbm>>) dst(%arg9 : memref<128x64xf32, #tpu.memory_space<vmem>>)
      "tpu.region"() ({
        %run_scoped3A = tpu.sem_alloc : memref<!tpu.dma_semaphore, #tpu.memory_space<semaphore_mem>>
        %dma_start3A_30 = arith.constant 0 : i32
        %dma_start3A_31 = tpu.memref_slice %arg8[%scan3A_19, %dma_start3A_30] : memref<80x128xi32, #tpu.memory_space<vmem>> -> memref<1x128xi32, #tpu.memory_space<vmem>>
        %dma_start3A_32 = tpu.memref_squeeze %dma_start3A_31 : memref<1x128xi32, #tpu.memory_space<vmem>> -> memref<128xi32, #tpu.memory_space<vmem>>
        %dma_start3A_33 = arith.constant 0 : i32
        %dma_start3A_34 = arith.constant 0 : i32
        %dma_start3A_35 = tpu.memref_slice %arg10[%dma_start3A_33, %dma_start3A_34] : memref<10112x64xf32, #tpu.memory_space<vmem_shared>> -> memref<10112x64xf32, #tpu.memory_space<vmem_shared>>
        tpu.enqueue_indirect_dma source(%arg9 : memref<128x64xf32, #tpu.memory_space<vmem>>) target(%dma_start3A_35 : memref<10112x64xf32, #tpu.memory_space<vmem_shared>>) offsets(%dma_start3A_32 : memref<128xi32, #tpu.memory_space<vmem>>) semaphore(%run_scoped3A : memref<!tpu.dma_semaphore, #tpu.memory_space<semaphore_mem>>) {add = true}
        %dma_wait3A_36 = arith.constant 0 : i32
        %dma_wait3A_37 = tpu.memref_slice %arg8[%scan3A_19, %dma_wait3A_36] : memref<80x128xi32, #tpu.memory_space<vmem>> -> memref<1x128xi32, #tpu.memory_space<vmem>>
        %dma_wait3A_38 = tpu.memref_squeeze %dma_wait3A_37 : memref<1x128xi32, #tpu.memory_space<vmem>> -> memref<128xi32, #tpu.memory_space<vmem>>
        %dma_wait3A_39 = arith.constant 0 : i32
        %dma_wait3A_40 = arith.constant 0 : i32
        %dma_wait3A_41 = tpu.memref_slice %arg10[%dma_wait3A_39, %dma_wait3A_40] : memref<10112x64xf32, #tpu.memory_space<vmem_shared>> -> memref<10112x64xf32, #tpu.memory_space<vmem_shared>>
        tpu.wait_indirect_dma semaphore(%run_scoped3A : memref<!tpu.dma_semaphore, #tpu.memory_space<semaphore_mem>>) src(%arg9 : memref<128x64xf32, #tpu.memory_space<vmem>>) dst(%dma_wait3A_41 : memref<10112x64xf32, #tpu.memory_space<vmem_shared>>)
        tpu.yield
      }) : () -> ()
    }
    %scan3A_13 = arith.constant 80 : i32
    %barrier3A_14 = arith.constant 0 : index
    tpu.barrier barrier_id(%barrier3A_14)
    %mul3A_15 = arith.constant 632 : i32
    %mul3A_16 = arith.muli %arg1, %mul3A_15 : i32
    %mul3A_17 = arith.constant 632 : i32
    %mul3A_18 = arith.muli %arg1, %mul3A_17 : i32
    "tpu.region"() ({
      %run_scoped3A = tpu.sem_alloc : memref<!tpu.dma_semaphore, #tpu.memory_space<semaphore_mem>>
      %dma_start3A = arith.constant 0 : i32
      %dma_start3A_19 = tpu.memref_slice %arg6[%arg0, %mul3A_18, %dma_start3A] : memref<2x10112x64xf32, #tpu.memory_space<hbm>> -> memref<1x632x64xf32, #tpu.memory_space<hbm>>
      %dma_start3A_20 = tpu.memref_squeeze %dma_start3A_19 : memref<1x632x64xf32, #tpu.memory_space<hbm>> -> memref<632x64xf32, #tpu.memory_space<hbm>>
      %dma_start3A_21 = arith.constant 0 : i32
      %dma_start3A_22 = tpu.memref_slice %arg10[%mul3A_16, %dma_start3A_21] : memref<10112x64xf32, #tpu.memory_space<vmem_shared>> -> memref<632x64xf32, #tpu.memory_space<vmem_shared>>
      tpu.enqueue_dma source(%dma_start3A_22 : memref<632x64xf32, #tpu.memory_space<vmem_shared>>) target(%dma_start3A_20 : memref<632x64xf32, #tpu.memory_space<hbm>>) target_semaphore(%run_scoped3A : memref<!tpu.dma_semaphore, #tpu.memory_space<semaphore_mem>>)
      %dma_wait3A = arith.constant 0 : i32
      %dma_wait3A_23 = tpu.memref_slice %arg6[%arg0, %mul3A_18, %dma_wait3A] : memref<2x10112x64xf32, #tpu.memory_space<hbm>> -> memref<1x632x64xf32, #tpu.memory_space<hbm>>
      %dma_wait3A_24 = tpu.memref_squeeze %dma_wait3A_23 : memref<1x632x64xf32, #tpu.memory_space<hbm>> -> memref<632x64xf32, #tpu.memory_space<hbm>>
      %dma_wait3A_25 = arith.constant 0 : i32
      %dma_wait3A_26 = tpu.memref_slice %arg10[%mul3A_16, %dma_wait3A_25] : memref<10112x64xf32, #tpu.memory_space<vmem_shared>> -> memref<632x64xf32, #tpu.memory_space<vmem_shared>>
      tpu.wait_dma2 semaphore(%run_scoped3A : memref<!tpu.dma_semaphore, #tpu.memory_space<semaphore_mem>>) src(%dma_wait3A_26 : memref<632x64xf32, #tpu.memory_space<vmem_shared>>) dst(%dma_wait3A_24 : memref<632x64xf32, #tpu.memory_space<hbm>>)
      tpu.yield
    }) : () -> ()
    return
  }
}

#map = affine_map<(d0, d1) -> (0, 0)>
#map1 = affine_map<(d0, d1) -> (0, 0, 0)>
module attributes {stable_mosaic.version = 14 : i64} {
  func.func @_deg_body(%arg0: i32, %arg1: i32, %arg2: memref<2560x128xi32, #tpu.memory_space<hbm>>, %arg3: memref<128x16xf32, #tpu.memory_space<hbm>>, %arg4: memref<10112x16xf32, #tpu.memory_space<hbm>>, %arg5: memref<2x10112x16xf32, #tpu.memory_space<hbm>>, %arg6: memref<80x128xi32, #tpu.memory_space<vmem>>, %arg7: memref<128x16xf32, #tpu.memory_space<vmem>>, %arg8: memref<10112x16xf32, #tpu.memory_space<vmem_shared>>) attributes {dimension_semantics = [#tpu.dimension_semantics<core_parallel>, #tpu.dimension_semantics<subcore_parallel>], iteration_bounds = array<i64: 2, 16>, scalar_prefetch = 0 : i64, scratch_operands = 3 : i64, tpu.core_type = #tpu.core_type<sc_vector_subcore>, window_params = [{transform_indices = #map}, {transform_indices = #map}, {transform_indices = #map}, {transform_indices = #map1}]} {
    %mul3A = arith.constant 16 : i32
    %mul3A_0 = arith.muli %arg0, %mul3A : i32
    %add3A = arith.addi %mul3A_0, %arg1 : i32
    %mul3A_1 = arith.constant 80 : i32
    %mul3A_2 = arith.muli %add3A, %mul3A_1 : i32
    "tpu.region"() ({
      %run_scoped3A = tpu.sem_alloc : memref<!tpu.dma_semaphore, #tpu.memory_space<semaphore_mem>>
      %dma_start3A = arith.constant 0 : i32
      %dma_start3A_17 = tpu.memref_slice %arg2[%mul3A_2, %dma_start3A] : memref<2560x128xi32, #tpu.memory_space<hbm>> -> memref<80x128xi32, #tpu.memory_space<hbm>>
      %dma_start3A_18 = arith.constant 0 : i32
      %dma_start3A_19 = tpu.memref_slice %arg2[%mul3A_2, %dma_start3A_18] : memref<2560x128xi32, #tpu.memory_space<hbm>> -> memref<80x128xi32, #tpu.memory_space<hbm>>
      tpu.enqueue_dma source(%dma_start3A_19 : memref<80x128xi32, #tpu.memory_space<hbm>>) target(%arg6 : memref<80x128xi32, #tpu.memory_space<vmem>>) target_semaphore(%run_scoped3A : memref<!tpu.dma_semaphore, #tpu.memory_space<semaphore_mem>>)
      %dma_wait3A = arith.constant 0 : i32
      %dma_wait3A_20 = tpu.memref_slice %arg2[%mul3A_2, %dma_wait3A] : memref<2560x128xi32, #tpu.memory_space<hbm>> -> memref<80x128xi32, #tpu.memory_space<hbm>>
      %dma_wait3A_21 = arith.constant 0 : i32
      %dma_wait3A_22 = tpu.memref_slice %arg2[%mul3A_2, %dma_wait3A_21] : memref<2560x128xi32, #tpu.memory_space<hbm>> -> memref<80x128xi32, #tpu.memory_space<hbm>>
      tpu.wait_dma2 semaphore(%run_scoped3A : memref<!tpu.dma_semaphore, #tpu.memory_space<semaphore_mem>>) src(%dma_wait3A_22 : memref<80x128xi32, #tpu.memory_space<hbm>>) dst(%arg6 : memref<80x128xi32, #tpu.memory_space<vmem>>)
      tpu.yield
    }) : () -> ()
    "tpu.region"() ({
      %run_scoped3A = tpu.sem_alloc : memref<!tpu.dma_semaphore, #tpu.memory_space<semaphore_mem>>
      tpu.enqueue_dma source(%arg3 : memref<128x16xf32, #tpu.memory_space<hbm>>) target(%arg7 : memref<128x16xf32, #tpu.memory_space<vmem>>) target_semaphore(%run_scoped3A : memref<!tpu.dma_semaphore, #tpu.memory_space<semaphore_mem>>)
      tpu.wait_dma2 semaphore(%run_scoped3A : memref<!tpu.dma_semaphore, #tpu.memory_space<semaphore_mem>>) src(%arg3 : memref<128x16xf32, #tpu.memory_space<hbm>>) dst(%arg7 : memref<128x16xf32, #tpu.memory_space<vmem>>)
      tpu.yield
    }) : () -> ()
    %mul3A_3 = arith.constant 632 : i32
    %mul3A_4 = arith.muli %arg1, %mul3A_3 : i32
    %mul3A_5 = arith.constant 632 : i32
    %mul3A_6 = arith.muli %arg1, %mul3A_5 : i32
    "tpu.region"() ({
      %run_scoped3A = tpu.sem_alloc : memref<!tpu.dma_semaphore, #tpu.memory_space<semaphore_mem>>
      %dma_start3A = arith.constant 0 : i32
      %dma_start3A_17 = tpu.memref_slice %arg8[%mul3A_6, %dma_start3A] : memref<10112x16xf32, #tpu.memory_space<vmem_shared>> -> memref<632x16xf32, #tpu.memory_space<vmem_shared>>
      %dma_start3A_18 = arith.constant 0 : i32
      %dma_start3A_19 = tpu.memref_slice %arg4[%mul3A_4, %dma_start3A_18] : memref<10112x16xf32, #tpu.memory_space<hbm>> -> memref<632x16xf32, #tpu.memory_space<hbm>>
      tpu.enqueue_dma source(%dma_start3A_19 : memref<632x16xf32, #tpu.memory_space<hbm>>) target(%dma_start3A_17 : memref<632x16xf32, #tpu.memory_space<vmem_shared>>) target_semaphore(%run_scoped3A : memref<!tpu.dma_semaphore, #tpu.memory_space<semaphore_mem>>)
      %dma_wait3A = arith.constant 0 : i32
      %dma_wait3A_20 = tpu.memref_slice %arg8[%mul3A_6, %dma_wait3A] : memref<10112x16xf32, #tpu.memory_space<vmem_shared>> -> memref<632x16xf32, #tpu.memory_space<vmem_shared>>
      %dma_wait3A_21 = arith.constant 0 : i32
      %dma_wait3A_22 = tpu.memref_slice %arg4[%mul3A_4, %dma_wait3A_21] : memref<10112x16xf32, #tpu.memory_space<hbm>> -> memref<632x16xf32, #tpu.memory_space<hbm>>
      tpu.wait_dma2 semaphore(%run_scoped3A : memref<!tpu.dma_semaphore, #tpu.memory_space<semaphore_mem>>) src(%dma_wait3A_22 : memref<632x16xf32, #tpu.memory_space<hbm>>) dst(%dma_wait3A_20 : memref<632x16xf32, #tpu.memory_space<vmem_shared>>)
      tpu.yield
    }) : () -> ()
    %barrier3A = arith.constant 0 : index
    tpu.barrier barrier_id(%barrier3A)
    %scan3A = arith.constant 0 : i32
    %scan3A_7 = arith.constant 0 : i32
    %scan3A_8 = arith.constant 80 : i32
    %scan3A_9 = arith.addi %scan3A_7, %scan3A_8 : i32
    %scan3A_10 = arith.constant 1 : i32
    scf.for %scan3A_17 = %scan3A_7 to %scan3A_9 step %scan3A_10  : i32 {
      "tpu.region"() ({
        %run_scoped3A = tpu.sem_alloc : memref<!tpu.dma_semaphore, #tpu.memory_space<semaphore_mem>>
        %dma_start3A = arith.constant 0 : i32
        %dma_start3A_18 = tpu.memref_slice %arg6[%scan3A_17, %dma_start3A] : memref<80x128xi32, #tpu.memory_space<vmem>> -> memref<1x128xi32, #tpu.memory_space<vmem>>
        %dma_start3A_19 = tpu.memref_squeeze %dma_start3A_18 : memref<1x128xi32, #tpu.memory_space<vmem>> -> memref<128xi32, #tpu.memory_space<vmem>>
        %dma_start3A_20 = arith.constant 0 : i32
        %dma_start3A_21 = arith.constant 0 : i32
        %dma_start3A_22 = tpu.memref_slice %arg8[%dma_start3A_20, %dma_start3A_21] : memref<10112x16xf32, #tpu.memory_space<vmem_shared>> -> memref<10112x16xf32, #tpu.memory_space<vmem_shared>>
        tpu.enqueue_indirect_dma source(%arg7 : memref<128x16xf32, #tpu.memory_space<vmem>>) target(%dma_start3A_22 : memref<10112x16xf32, #tpu.memory_space<vmem_shared>>) offsets(%dma_start3A_19 : memref<128xi32, #tpu.memory_space<vmem>>) semaphore(%run_scoped3A : memref<!tpu.dma_semaphore, #tpu.memory_space<semaphore_mem>>) {add = true}
        %dma_wait3A = arith.constant 0 : i32
        %dma_wait3A_23 = tpu.memref_slice %arg6[%scan3A_17, %dma_wait3A] : memref<80x128xi32, #tpu.memory_space<vmem>> -> memref<1x128xi32, #tpu.memory_space<vmem>>
        %dma_wait3A_24 = tpu.memref_squeeze %dma_wait3A_23 : memref<1x128xi32, #tpu.memory_space<vmem>> -> memref<128xi32, #tpu.memory_space<vmem>>
        %dma_wait3A_25 = arith.constant 0 : i32
        %dma_wait3A_26 = arith.constant 0 : i32
        %dma_wait3A_27 = tpu.memref_slice %arg8[%dma_wait3A_25, %dma_wait3A_26] : memref<10112x16xf32, #tpu.memory_space<vmem_shared>> -> memref<10112x16xf32, #tpu.memory_space<vmem_shared>>
        tpu.wait_indirect_dma semaphore(%run_scoped3A : memref<!tpu.dma_semaphore, #tpu.memory_space<semaphore_mem>>) src(%arg7 : memref<128x16xf32, #tpu.memory_space<vmem>>) dst(%dma_wait3A_27 : memref<10112x16xf32, #tpu.memory_space<vmem_shared>>)
        tpu.yield
      }) : () -> ()
    }
    %scan3A_11 = arith.constant 80 : i32
    %barrier3A_12 = arith.constant 0 : index
    tpu.barrier barrier_id(%barrier3A_12)
    %mul3A_13 = arith.constant 632 : i32
    %mul3A_14 = arith.muli %arg1, %mul3A_13 : i32
    %mul3A_15 = arith.constant 632 : i32
    %mul3A_16 = arith.muli %arg1, %mul3A_15 : i32
    "tpu.region"() ({
      %run_scoped3A = tpu.sem_alloc : memref<!tpu.dma_semaphore, #tpu.memory_space<semaphore_mem>>
      %dma_start3A = arith.constant 0 : i32
      %dma_start3A_17 = tpu.memref_slice %arg5[%arg0, %mul3A_16, %dma_start3A] : memref<2x10112x16xf32, #tpu.memory_space<hbm>> -> memref<1x632x16xf32, #tpu.memory_space<hbm>>
      %dma_start3A_18 = tpu.memref_squeeze %dma_start3A_17 : memref<1x632x16xf32, #tpu.memory_space<hbm>> -> memref<632x16xf32, #tpu.memory_space<hbm>>
      %dma_start3A_19 = arith.constant 0 : i32
      %dma_start3A_20 = tpu.memref_slice %arg8[%mul3A_14, %dma_start3A_19] : memref<10112x16xf32, #tpu.memory_space<vmem_shared>> -> memref<632x16xf32, #tpu.memory_space<vmem_shared>>
      tpu.enqueue_dma source(%dma_start3A_20 : memref<632x16xf32, #tpu.memory_space<vmem_shared>>) target(%dma_start3A_18 : memref<632x16xf32, #tpu.memory_space<hbm>>) target_semaphore(%run_scoped3A : memref<!tpu.dma_semaphore, #tpu.memory_space<semaphore_mem>>)
      %dma_wait3A = arith.constant 0 : i32
      %dma_wait3A_21 = tpu.memref_slice %arg5[%arg0, %mul3A_16, %dma_wait3A] : memref<2x10112x16xf32, #tpu.memory_space<hbm>> -> memref<1x632x16xf32, #tpu.memory_space<hbm>>
      %dma_wait3A_22 = tpu.memref_squeeze %dma_wait3A_21 : memref<1x632x16xf32, #tpu.memory_space<hbm>> -> memref<632x16xf32, #tpu.memory_space<hbm>>
      %dma_wait3A_23 = arith.constant 0 : i32
      %dma_wait3A_24 = tpu.memref_slice %arg8[%mul3A_14, %dma_wait3A_23] : memref<10112x16xf32, #tpu.memory_space<vmem_shared>> -> memref<632x16xf32, #tpu.memory_space<vmem_shared>>
      tpu.wait_dma2 semaphore(%run_scoped3A : memref<!tpu.dma_semaphore, #tpu.memory_space<semaphore_mem>>) src(%dma_wait3A_24 : memref<632x16xf32, #tpu.memory_space<vmem_shared>>) dst(%dma_wait3A_22 : memref<632x16xf32, #tpu.memory_space<hbm>>)
      tpu.yield
    }) : () -> ()
    return
  }
}

#map = affine_map<(d0, d1) -> (0, 0)>
#map1 = affine_map<(d0, d1) -> (0, 0, 0)>
module attributes {stable_mosaic.version = 14 : i64} {
  func.func @_scatter_body(%arg0: i32, %arg1: i32, %arg2: memref<10000x64xf32, #tpu.memory_space<hbm>>, %arg3: memref<2560x128xi32, #tpu.memory_space<hbm>>, %arg4: memref<2560x128xi32, #tpu.memory_space<hbm>>, %arg5: memref<10112x64xf32, #tpu.memory_space<hbm>>, %arg6: memref<2x10112x64xf32, #tpu.memory_space<hbm>>, %arg7: memref<80x128xi32, #tpu.memory_space<vmem>>, %arg8: memref<80x128xi32, #tpu.memory_space<vmem>>, %arg9: memref<128x64xf32, #tpu.memory_space<vmem>>, %arg10: memref<10112x64xf32, #tpu.memory_space<vmem_shared>>, %arg11: memref<!tpu.dma_semaphore, #tpu.memory_space<semaphore_mem>>) attributes {dimension_semantics = [#tpu.dimension_semantics<core_parallel>, #tpu.dimension_semantics<subcore_parallel>], iteration_bounds = array<i64: 2, 16>, scalar_prefetch = 0 : i64, scratch_operands = 5 : i64, tpu.core_type = #tpu.core_type<sc_vector_subcore>, window_params = [{transform_indices = #map}, {transform_indices = #map}, {transform_indices = #map}, {transform_indices = #map}, {transform_indices = #map1}]} {
    %mul3A = arith.constant 16 : i32
    %mul3A_0 = arith.muli %arg0, %mul3A : i32
    %add3A = arith.addi %mul3A_0, %arg1 : i32
    %mul3A_1 = arith.constant 80 : i32
    %mul3A_2 = arith.muli %add3A, %mul3A_1 : i32
    "tpu.region"() ({
      %run_scoped3A = tpu.sem_alloc : memref<!tpu.dma_semaphore, #tpu.memory_space<semaphore_mem>>
      %dma_start3A = arith.constant 0 : i32
      %dma_start3A_19 = tpu.memref_slice %arg3[%mul3A_2, %dma_start3A] : memref<2560x128xi32, #tpu.memory_space<hbm>> -> memref<80x128xi32, #tpu.memory_space<hbm>>
      %dma_start3A_20 = arith.constant 0 : i32
      %dma_start3A_21 = tpu.memref_slice %arg3[%mul3A_2, %dma_start3A_20] : memref<2560x128xi32, #tpu.memory_space<hbm>> -> memref<80x128xi32, #tpu.memory_space<hbm>>
      tpu.enqueue_dma source(%dma_start3A_21 : memref<80x128xi32, #tpu.memory_space<hbm>>) target(%arg7 : memref<80x128xi32, #tpu.memory_space<vmem>>) target_semaphore(%run_scoped3A : memref<!tpu.dma_semaphore, #tpu.memory_space<semaphore_mem>>)
      %dma_wait3A = arith.constant 0 : i32
      %dma_wait3A_22 = tpu.memref_slice %arg3[%mul3A_2, %dma_wait3A] : memref<2560x128xi32, #tpu.memory_space<hbm>> -> memref<80x128xi32, #tpu.memory_space<hbm>>
      %dma_wait3A_23 = arith.constant 0 : i32
      %dma_wait3A_24 = tpu.memref_slice %arg3[%mul3A_2, %dma_wait3A_23] : memref<2560x128xi32, #tpu.memory_space<hbm>> -> memref<80x128xi32, #tpu.memory_space<hbm>>
      tpu.wait_dma2 semaphore(%run_scoped3A : memref<!tpu.dma_semaphore, #tpu.memory_space<semaphore_mem>>) src(%dma_wait3A_24 : memref<80x128xi32, #tpu.memory_space<hbm>>) dst(%arg7 : memref<80x128xi32, #tpu.memory_space<vmem>>)
      tpu.yield
    }) : () -> ()
    %mul3A_3 = arith.constant 80 : i32
    %mul3A_4 = arith.muli %add3A, %mul3A_3 : i32
    "tpu.region"() ({
      %run_scoped3A = tpu.sem_alloc : memref<!tpu.dma_semaphore, #tpu.memory_space<semaphore_mem>>
      %dma_start3A = arith.constant 0 : i32
      %dma_start3A_19 = tpu.memref_slice %arg4[%mul3A_4, %dma_start3A] : memref<2560x128xi32, #tpu.memory_space<hbm>> -> memref<80x128xi32, #tpu.memory_space<hbm>>
      %dma_start3A_20 = arith.constant 0 : i32
      %dma_start3A_21 = tpu.memref_slice %arg4[%mul3A_4, %dma_start3A_20] : memref<2560x128xi32, #tpu.memory_space<hbm>> -> memref<80x128xi32, #tpu.memory_space<hbm>>
      tpu.enqueue_dma source(%dma_start3A_21 : memref<80x128xi32, #tpu.memory_space<hbm>>) target(%arg8 : memref<80x128xi32, #tpu.memory_space<vmem>>) target_semaphore(%run_scoped3A : memref<!tpu.dma_semaphore, #tpu.memory_space<semaphore_mem>>)
      %dma_wait3A = arith.constant 0 : i32
      %dma_wait3A_22 = tpu.memref_slice %arg4[%mul3A_4, %dma_wait3A] : memref<2560x128xi32, #tpu.memory_space<hbm>> -> memref<80x128xi32, #tpu.memory_space<hbm>>
      %dma_wait3A_23 = arith.constant 0 : i32
      %dma_wait3A_24 = tpu.memref_slice %arg4[%mul3A_4, %dma_wait3A_23] : memref<2560x128xi32, #tpu.memory_space<hbm>> -> memref<80x128xi32, #tpu.memory_space<hbm>>
      tpu.wait_dma2 semaphore(%run_scoped3A : memref<!tpu.dma_semaphore, #tpu.memory_space<semaphore_mem>>) src(%dma_wait3A_24 : memref<80x128xi32, #tpu.memory_space<hbm>>) dst(%arg8 : memref<80x128xi32, #tpu.memory_space<vmem>>)
      tpu.yield
    }) : () -> ()
    %mul3A_5 = arith.constant 632 : i32
    %mul3A_6 = arith.muli %arg1, %mul3A_5 : i32
    %mul3A_7 = arith.constant 632 : i32
    %mul3A_8 = arith.muli %arg1, %mul3A_7 : i32
    "tpu.region"() ({
      %run_scoped3A = tpu.sem_alloc : memref<!tpu.dma_semaphore, #tpu.memory_space<semaphore_mem>>
      %dma_start3A = arith.constant 0 : i32
      %dma_start3A_19 = tpu.memref_slice %arg10[%mul3A_8, %dma_start3A] : memref<10112x64xf32, #tpu.memory_space<vmem_shared>> -> memref<632x64xf32, #tpu.memory_space<vmem_shared>>
      %dma_start3A_20 = arith.constant 0 : i32
      %dma_start3A_21 = tpu.memref_slice %arg5[%mul3A_6, %dma_start3A_20] : memref<10112x64xf32, #tpu.memory_space<hbm>> -> memref<632x64xf32, #tpu.memory_space<hbm>>
      tpu.enqueue_dma source(%dma_start3A_21 : memref<632x64xf32, #tpu.memory_space<hbm>>) target(%dma_start3A_19 : memref<632x64xf32, #tpu.memory_space<vmem_shared>>) target_semaphore(%run_scoped3A : memref<!tpu.dma_semaphore, #tpu.memory_space<semaphore_mem>>)
      %dma_wait3A = arith.constant 0 : i32
      %dma_wait3A_22 = tpu.memref_slice %arg10[%mul3A_8, %dma_wait3A] : memref<10112x64xf32, #tpu.memory_space<vmem_shared>> -> memref<632x64xf32, #tpu.memory_space<vmem_shared>>
      %dma_wait3A_23 = arith.constant 0 : i32
      %dma_wait3A_24 = tpu.memref_slice %arg5[%mul3A_6, %dma_wait3A_23] : memref<10112x64xf32, #tpu.memory_space<hbm>> -> memref<632x64xf32, #tpu.memory_space<hbm>>
      tpu.wait_dma2 semaphore(%run_scoped3A : memref<!tpu.dma_semaphore, #tpu.memory_space<semaphore_mem>>) src(%dma_wait3A_24 : memref<632x64xf32, #tpu.memory_space<hbm>>) dst(%dma_wait3A_22 : memref<632x64xf32, #tpu.memory_space<vmem_shared>>)
      tpu.yield
    }) : () -> ()
    %barrier3A = arith.constant 0 : index
    tpu.barrier barrier_id(%barrier3A)
    %scan3A = arith.constant 0 : i32
    %scan3A_9 = arith.constant 0 : i32
    %scan3A_10 = arith.constant 80 : i32
    %scan3A_11 = arith.addi %scan3A_9, %scan3A_10 : i32
    %scan3A_12 = arith.constant 1 : i32
    scf.for %scan3A_19 = %scan3A_9 to %scan3A_11 step %scan3A_12  : i32 {
      %dma_start3A = arith.constant 0 : i32
      %dma_start3A_20 = tpu.memref_slice %arg7[%scan3A_19, %dma_start3A] : memref<80x128xi32, #tpu.memory_space<vmem>> -> memref<1x128xi32, #tpu.memory_space<vmem>>
      %dma_start3A_21 = tpu.memref_squeeze %dma_start3A_20 : memref<1x128xi32, #tpu.memory_space<vmem>> -> memref<128xi32, #tpu.memory_space<vmem>>
      %dma_start3A_22 = arith.constant 0 : i32
      %dma_start3A_23 = arith.constant 0 : i32
      %dma_start3A_24 = tpu.memref_slice %arg2[%dma_start3A_22, %dma_start3A_23] : memref<10000x64xf32, #tpu.memory_space<hbm>> -> memref<10000x64xf32, #tpu.memory_space<hbm>>
      tpu.enqueue_indirect_dma source(%dma_start3A_24 : memref<10000x64xf32, #tpu.memory_space<hbm>>) target(%arg9 : memref<128x64xf32, #tpu.memory_space<vmem>>) offsets(%dma_start3A_21 : memref<128xi32, #tpu.memory_space<vmem>>) semaphore(%arg11 : memref<!tpu.dma_semaphore, #tpu.memory_space<semaphore_mem>>)
      %dma_wait3A = arith.constant 0 : i32
      %dma_wait3A_25 = tpu.memref_slice %arg7[%scan3A_19, %dma_wait3A] : memref<80x128xi32, #tpu.memory_space<vmem>> -> memref<1x128xi32, #tpu.memory_space<vmem>>
      %dma_wait3A_26 = tpu.memref_squeeze %dma_wait3A_25 : memref<1x128xi32, #tpu.memory_space<vmem>> -> memref<128xi32, #tpu.memory_space<vmem>>
      %dma_wait3A_27 = arith.constant 0 : i32
      %dma_wait3A_28 = arith.constant 0 : i32
      %dma_wait3A_29 = tpu.memref_slice %arg2[%dma_wait3A_27, %dma_wait3A_28] : memref<10000x64xf32, #tpu.memory_space<hbm>> -> memref<10000x64xf32, #tpu.memory_space<hbm>>
      tpu.wait_indirect_dma semaphore(%arg11 : memref<!tpu.dma_semaphore, #tpu.memory_space<semaphore_mem>>) src(%dma_wait3A_29 : memref<10000x64xf32, #tpu.memory_space<hbm>>) dst(%arg9 : memref<128x64xf32, #tpu.memory_space<vmem>>)
      "tpu.region"() ({
        %run_scoped3A = tpu.sem_alloc : memref<!tpu.dma_semaphore, #tpu.memory_space<semaphore_mem>>
        %dma_start3A_30 = arith.constant 0 : i32
        %dma_start3A_31 = tpu.memref_slice %arg8[%scan3A_19, %dma_start3A_30] : memref<80x128xi32, #tpu.memory_space<vmem>> -> memref<1x128xi32, #tpu.memory_space<vmem>>
        %dma_start3A_32 = tpu.memref_squeeze %dma_start3A_31 : memref<1x128xi32, #tpu.memory_space<vmem>> -> memref<128xi32, #tpu.memory_space<vmem>>
        %dma_start3A_33 = arith.constant 0 : i32
        %dma_start3A_34 = arith.constant 0 : i32
        %dma_start3A_35 = tpu.memref_slice %arg10[%dma_start3A_33, %dma_start3A_34] : memref<10112x64xf32, #tpu.memory_space<vmem_shared>> -> memref<10112x64xf32, #tpu.memory_space<vmem_shared>>
        tpu.enqueue_indirect_dma source(%arg9 : memref<128x64xf32, #tpu.memory_space<vmem>>) target(%dma_start3A_35 : memref<10112x64xf32, #tpu.memory_space<vmem_shared>>) offsets(%dma_start3A_32 : memref<128xi32, #tpu.memory_space<vmem>>) semaphore(%run_scoped3A : memref<!tpu.dma_semaphore, #tpu.memory_space<semaphore_mem>>) {add = true}
        %dma_wait3A_36 = arith.constant 0 : i32
        %dma_wait3A_37 = tpu.memref_slice %arg8[%scan3A_19, %dma_wait3A_36] : memref<80x128xi32, #tpu.memory_space<vmem>> -> memref<1x128xi32, #tpu.memory_space<vmem>>
        %dma_wait3A_38 = tpu.memref_squeeze %dma_wait3A_37 : memref<1x128xi32, #tpu.memory_space<vmem>> -> memref<128xi32, #tpu.memory_space<vmem>>
        %dma_wait3A_39 = arith.constant 0 : i32
        %dma_wait3A_40 = arith.constant 0 : i32
        %dma_wait3A_41 = tpu.memref_slice %arg10[%dma_wait3A_39, %dma_wait3A_40] : memref<10112x64xf32, #tpu.memory_space<vmem_shared>> -> memref<10112x64xf32, #tpu.memory_space<vmem_shared>>
        tpu.wait_indirect_dma semaphore(%run_scoped3A : memref<!tpu.dma_semaphore, #tpu.memory_space<semaphore_mem>>) src(%arg9 : memref<128x64xf32, #tpu.memory_space<vmem>>) dst(%dma_wait3A_41 : memref<10112x64xf32, #tpu.memory_space<vmem_shared>>)
        tpu.yield
      }) : () -> ()
    }
    %scan3A_13 = arith.constant 80 : i32
    %barrier3A_14 = arith.constant 0 : index
    tpu.barrier barrier_id(%barrier3A_14)
    %mul3A_15 = arith.constant 632 : i32
    %mul3A_16 = arith.muli %arg1, %mul3A_15 : i32
    %mul3A_17 = arith.constant 632 : i32
    %mul3A_18 = arith.muli %arg1, %mul3A_17 : i32
    "tpu.region"() ({
      %run_scoped3A = tpu.sem_alloc : memref<!tpu.dma_semaphore, #tpu.memory_space<semaphore_mem>>
      %dma_start3A = arith.constant 0 : i32
      %dma_start3A_19 = tpu.memref_slice %arg6[%arg0, %mul3A_18, %dma_start3A] : memref<2x10112x64xf32, #tpu.memory_space<hbm>> -> memref<1x632x64xf32, #tpu.memory_space<hbm>>
      %dma_start3A_20 = tpu.memref_squeeze %dma_start3A_19 : memref<1x632x64xf32, #tpu.memory_space<hbm>> -> memref<632x64xf32, #tpu.memory_space<hbm>>
      %dma_start3A_21 = arith.constant 0 : i32
      %dma_start3A_22 = tpu.memref_slice %arg10[%mul3A_16, %dma_start3A_21] : memref<10112x64xf32, #tpu.memory_space<vmem_shared>> -> memref<632x64xf32, #tpu.memory_space<vmem_shared>>
      tpu.enqueue_dma source(%dma_start3A_22 : memref<632x64xf32, #tpu.memory_space<vmem_shared>>) target(%dma_start3A_20 : memref<632x64xf32, #tpu.memory_space<hbm>>) target_semaphore(%run_scoped3A : memref<!tpu.dma_semaphore, #tpu.memory_space<semaphore_mem>>)
      %dma_wait3A = arith.constant 0 : i32
      %dma_wait3A_23 = tpu.memref_slice %arg6[%arg0, %mul3A_18, %dma_wait3A] : memref<2x10112x64xf32, #tpu.memory_space<hbm>> -> memref<1x632x64xf32, #tpu.memory_space<hbm>>
      %dma_wait3A_24 = tpu.memref_squeeze %dma_wait3A_23 : memref<1x632x64xf32, #tpu.memory_space<hbm>> -> memref<632x64xf32, #tpu.memory_space<hbm>>
      %dma_wait3A_25 = arith.constant 0 : i32
      %dma_wait3A_26 = tpu.memref_slice %arg10[%mul3A_16, %dma_wait3A_25] : memref<10112x64xf32, #tpu.memory_space<vmem_shared>> -> memref<632x64xf32, #tpu.memory_space<vmem_shared>>
      tpu.wait_dma2 semaphore(%run_scoped3A : memref<!tpu.dma_semaphore, #tpu.memory_space<semaphore_mem>>) src(%dma_wait3A_26 : memref<632x64xf32, #tpu.memory_space<vmem_shared>>) dst(%dma_wait3A_24 : memref<632x64xf32, #tpu.memory_space<hbm>>)
      tpu.yield
    }) : () -> ()
    return
  }
}

#map = affine_map<(d0, d1) -> (0, 0)>
#map1 = affine_map<(d0, d1) -> (0, 0, 0)>
module attributes {stable_mosaic.version = 14 : i64} {
  func.func @_scatter_body(%arg0: i32, %arg1: i32, %arg2: memref<10000x64xf32, #tpu.memory_space<hbm>>, %arg3: memref<2560x128xi32, #tpu.memory_space<hbm>>, %arg4: memref<2560x128xi32, #tpu.memory_space<hbm>>, %arg5: memref<10112x64xf32, #tpu.memory_space<hbm>>, %arg6: memref<2x10112x64xf32, #tpu.memory_space<hbm>>, %arg7: memref<80x128xi32, #tpu.memory_space<vmem>>, %arg8: memref<80x128xi32, #tpu.memory_space<vmem>>, %arg9: memref<128x64xf32, #tpu.memory_space<vmem>>, %arg10: memref<10112x64xf32, #tpu.memory_space<vmem_shared>>, %arg11: memref<!tpu.dma_semaphore, #tpu.memory_space<semaphore_mem>>) attributes {dimension_semantics = [#tpu.dimension_semantics<core_parallel>, #tpu.dimension_semantics<subcore_parallel>], iteration_bounds = array<i64: 2, 16>, scalar_prefetch = 0 : i64, scratch_operands = 5 : i64, tpu.core_type = #tpu.core_type<sc_vector_subcore>, window_params = [{transform_indices = #map}, {transform_indices = #map}, {transform_indices = #map}, {transform_indices = #map}, {transform_indices = #map1}]} {
    %mul3A = arith.constant 16 : i32
    %mul3A_0 = arith.muli %arg0, %mul3A : i32
    %add3A = arith.addi %mul3A_0, %arg1 : i32
    %mul3A_1 = arith.constant 80 : i32
    %mul3A_2 = arith.muli %add3A, %mul3A_1 : i32
    "tpu.region"() ({
      %run_scoped3A = tpu.sem_alloc : memref<!tpu.dma_semaphore, #tpu.memory_space<semaphore_mem>>
      %dma_start3A = arith.constant 0 : i32
      %dma_start3A_19 = tpu.memref_slice %arg3[%mul3A_2, %dma_start3A] : memref<2560x128xi32, #tpu.memory_space<hbm>> -> memref<80x128xi32, #tpu.memory_space<hbm>>
      %dma_start3A_20 = arith.constant 0 : i32
      %dma_start3A_21 = tpu.memref_slice %arg3[%mul3A_2, %dma_start3A_20] : memref<2560x128xi32, #tpu.memory_space<hbm>> -> memref<80x128xi32, #tpu.memory_space<hbm>>
      tpu.enqueue_dma source(%dma_start3A_21 : memref<80x128xi32, #tpu.memory_space<hbm>>) target(%arg7 : memref<80x128xi32, #tpu.memory_space<vmem>>) target_semaphore(%run_scoped3A : memref<!tpu.dma_semaphore, #tpu.memory_space<semaphore_mem>>)
      %dma_wait3A = arith.constant 0 : i32
      %dma_wait3A_22 = tpu.memref_slice %arg3[%mul3A_2, %dma_wait3A] : memref<2560x128xi32, #tpu.memory_space<hbm>> -> memref<80x128xi32, #tpu.memory_space<hbm>>
      %dma_wait3A_23 = arith.constant 0 : i32
      %dma_wait3A_24 = tpu.memref_slice %arg3[%mul3A_2, %dma_wait3A_23] : memref<2560x128xi32, #tpu.memory_space<hbm>> -> memref<80x128xi32, #tpu.memory_space<hbm>>
      tpu.wait_dma2 semaphore(%run_scoped3A : memref<!tpu.dma_semaphore, #tpu.memory_space<semaphore_mem>>) src(%dma_wait3A_24 : memref<80x128xi32, #tpu.memory_space<hbm>>) dst(%arg7 : memref<80x128xi32, #tpu.memory_space<vmem>>)
      tpu.yield
    }) : () -> ()
    %mul3A_3 = arith.constant 80 : i32
    %mul3A_4 = arith.muli %add3A, %mul3A_3 : i32
    "tpu.region"() ({
      %run_scoped3A = tpu.sem_alloc : memref<!tpu.dma_semaphore, #tpu.memory_space<semaphore_mem>>
      %dma_start3A = arith.constant 0 : i32
      %dma_start3A_19 = tpu.memref_slice %arg4[%mul3A_4, %dma_start3A] : memref<2560x128xi32, #tpu.memory_space<hbm>> -> memref<80x128xi32, #tpu.memory_space<hbm>>
      %dma_start3A_20 = arith.constant 0 : i32
      %dma_start3A_21 = tpu.memref_slice %arg4[%mul3A_4, %dma_start3A_20] : memref<2560x128xi32, #tpu.memory_space<hbm>> -> memref<80x128xi32, #tpu.memory_space<hbm>>
      tpu.enqueue_dma source(%dma_start3A_21 : memref<80x128xi32, #tpu.memory_space<hbm>>) target(%arg8 : memref<80x128xi32, #tpu.memory_space<vmem>>) target_semaphore(%run_scoped3A : memref<!tpu.dma_semaphore, #tpu.memory_space<semaphore_mem>>)
      %dma_wait3A = arith.constant 0 : i32
      %dma_wait3A_22 = tpu.memref_slice %arg4[%mul3A_4, %dma_wait3A] : memref<2560x128xi32, #tpu.memory_space<hbm>> -> memref<80x128xi32, #tpu.memory_space<hbm>>
      %dma_wait3A_23 = arith.constant 0 : i32
      %dma_wait3A_24 = tpu.memref_slice %arg4[%mul3A_4, %dma_wait3A_23] : memref<2560x128xi32, #tpu.memory_space<hbm>> -> memref<80x128xi32, #tpu.memory_space<hbm>>
      tpu.wait_dma2 semaphore(%run_scoped3A : memref<!tpu.dma_semaphore, #tpu.memory_space<semaphore_mem>>) src(%dma_wait3A_24 : memref<80x128xi32, #tpu.memory_space<hbm>>) dst(%arg8 : memref<80x128xi32, #tpu.memory_space<vmem>>)
      tpu.yield
    }) : () -> ()
    %mul3A_5 = arith.constant 632 : i32
    %mul3A_6 = arith.muli %arg1, %mul3A_5 : i32
    %mul3A_7 = arith.constant 632 : i32
    %mul3A_8 = arith.muli %arg1, %mul3A_7 : i32
    "tpu.region"() ({
      %run_scoped3A = tpu.sem_alloc : memref<!tpu.dma_semaphore, #tpu.memory_space<semaphore_mem>>
      %dma_start3A = arith.constant 0 : i32
      %dma_start3A_19 = tpu.memref_slice %arg10[%mul3A_8, %dma_start3A] : memref<10112x64xf32, #tpu.memory_space<vmem_shared>> -> memref<632x64xf32, #tpu.memory_space<vmem_shared>>
      %dma_start3A_20 = arith.constant 0 : i32
      %dma_start3A_21 = tpu.memref_slice %arg5[%mul3A_6, %dma_start3A_20] : memref<10112x64xf32, #tpu.memory_space<hbm>> -> memref<632x64xf32, #tpu.memory_space<hbm>>
      tpu.enqueue_dma source(%dma_start3A_21 : memref<632x64xf32, #tpu.memory_space<hbm>>) target(%dma_start3A_19 : memref<632x64xf32, #tpu.memory_space<vmem_shared>>) target_semaphore(%run_scoped3A : memref<!tpu.dma_semaphore, #tpu.memory_space<semaphore_mem>>)
      %dma_wait3A = arith.constant 0 : i32
      %dma_wait3A_22 = tpu.memref_slice %arg10[%mul3A_8, %dma_wait3A] : memref<10112x64xf32, #tpu.memory_space<vmem_shared>> -> memref<632x64xf32, #tpu.memory_space<vmem_shared>>
      %dma_wait3A_23 = arith.constant 0 : i32
      %dma_wait3A_24 = tpu.memref_slice %arg5[%mul3A_6, %dma_wait3A_23] : memref<10112x64xf32, #tpu.memory_space<hbm>> -> memref<632x64xf32, #tpu.memory_space<hbm>>
      tpu.wait_dma2 semaphore(%run_scoped3A : memref<!tpu.dma_semaphore, #tpu.memory_space<semaphore_mem>>) src(%dma_wait3A_24 : memref<632x64xf32, #tpu.memory_space<hbm>>) dst(%dma_wait3A_22 : memref<632x64xf32, #tpu.memory_space<vmem_shared>>)
      tpu.yield
    }) : () -> ()
    %barrier3A = arith.constant 0 : index
    tpu.barrier barrier_id(%barrier3A)
    %scan3A = arith.constant 0 : i32
    %scan3A_9 = arith.constant 0 : i32
    %scan3A_10 = arith.constant 80 : i32
    %scan3A_11 = arith.addi %scan3A_9, %scan3A_10 : i32
    %scan3A_12 = arith.constant 1 : i32
    scf.for %scan3A_19 = %scan3A_9 to %scan3A_11 step %scan3A_12  : i32 {
      %dma_start3A = arith.constant 0 : i32
      %dma_start3A_20 = tpu.memref_slice %arg7[%scan3A_19, %dma_start3A] : memref<80x128xi32, #tpu.memory_space<vmem>> -> memref<1x128xi32, #tpu.memory_space<vmem>>
      %dma_start3A_21 = tpu.memref_squeeze %dma_start3A_20 : memref<1x128xi32, #tpu.memory_space<vmem>> -> memref<128xi32, #tpu.memory_space<vmem>>
      %dma_start3A_22 = arith.constant 0 : i32
      %dma_start3A_23 = arith.constant 0 : i32
      %dma_start3A_24 = tpu.memref_slice %arg2[%dma_start3A_22, %dma_start3A_23] : memref<10000x64xf32, #tpu.memory_space<hbm>> -> memref<10000x64xf32, #tpu.memory_space<hbm>>
      tpu.enqueue_indirect_dma source(%dma_start3A_24 : memref<10000x64xf32, #tpu.memory_space<hbm>>) target(%arg9 : memref<128x64xf32, #tpu.memory_space<vmem>>) offsets(%dma_start3A_21 : memref<128xi32, #tpu.memory_space<vmem>>) semaphore(%arg11 : memref<!tpu.dma_semaphore, #tpu.memory_space<semaphore_mem>>)
      %dma_wait3A = arith.constant 0 : i32
      %dma_wait3A_25 = tpu.memref_slice %arg7[%scan3A_19, %dma_wait3A] : memref<80x128xi32, #tpu.memory_space<vmem>> -> memref<1x128xi32, #tpu.memory_space<vmem>>
      %dma_wait3A_26 = tpu.memref_squeeze %dma_wait3A_25 : memref<1x128xi32, #tpu.memory_space<vmem>> -> memref<128xi32, #tpu.memory_space<vmem>>
      %dma_wait3A_27 = arith.constant 0 : i32
      %dma_wait3A_28 = arith.constant 0 : i32
      %dma_wait3A_29 = tpu.memref_slice %arg2[%dma_wait3A_27, %dma_wait3A_28] : memref<10000x64xf32, #tpu.memory_space<hbm>> -> memref<10000x64xf32, #tpu.memory_space<hbm>>
      tpu.wait_indirect_dma semaphore(%arg11 : memref<!tpu.dma_semaphore, #tpu.memory_space<semaphore_mem>>) src(%dma_wait3A_29 : memref<10000x64xf32, #tpu.memory_space<hbm>>) dst(%arg9 : memref<128x64xf32, #tpu.memory_space<vmem>>)
      "tpu.region"() ({
        %run_scoped3A = tpu.sem_alloc : memref<!tpu.dma_semaphore, #tpu.memory_space<semaphore_mem>>
        %dma_start3A_30 = arith.constant 0 : i32
        %dma_start3A_31 = tpu.memref_slice %arg8[%scan3A_19, %dma_start3A_30] : memref<80x128xi32, #tpu.memory_space<vmem>> -> memref<1x128xi32, #tpu.memory_space<vmem>>
        %dma_start3A_32 = tpu.memref_squeeze %dma_start3A_31 : memref<1x128xi32, #tpu.memory_space<vmem>> -> memref<128xi32, #tpu.memory_space<vmem>>
        %dma_start3A_33 = arith.constant 0 : i32
        %dma_start3A_34 = arith.constant 0 : i32
        %dma_start3A_35 = tpu.memref_slice %arg10[%dma_start3A_33, %dma_start3A_34] : memref<10112x64xf32, #tpu.memory_space<vmem_shared>> -> memref<10112x64xf32, #tpu.memory_space<vmem_shared>>
        tpu.enqueue_indirect_dma source(%arg9 : memref<128x64xf32, #tpu.memory_space<vmem>>) target(%dma_start3A_35 : memref<10112x64xf32, #tpu.memory_space<vmem_shared>>) offsets(%dma_start3A_32 : memref<128xi32, #tpu.memory_space<vmem>>) semaphore(%run_scoped3A : memref<!tpu.dma_semaphore, #tpu.memory_space<semaphore_mem>>) {add = true}
        %dma_wait3A_36 = arith.constant 0 : i32
        %dma_wait3A_37 = tpu.memref_slice %arg8[%scan3A_19, %dma_wait3A_36] : memref<80x128xi32, #tpu.memory_space<vmem>> -> memref<1x128xi32, #tpu.memory_space<vmem>>
        %dma_wait3A_38 = tpu.memref_squeeze %dma_wait3A_37 : memref<1x128xi32, #tpu.memory_space<vmem>> -> memref<128xi32, #tpu.memory_space<vmem>>
        %dma_wait3A_39 = arith.constant 0 : i32
        %dma_wait3A_40 = arith.constant 0 : i32
        %dma_wait3A_41 = tpu.memref_slice %arg10[%dma_wait3A_39, %dma_wait3A_40] : memref<10112x64xf32, #tpu.memory_space<vmem_shared>> -> memref<10112x64xf32, #tpu.memory_space<vmem_shared>>
        tpu.wait_indirect_dma semaphore(%run_scoped3A : memref<!tpu.dma_semaphore, #tpu.memory_space<semaphore_mem>>) src(%arg9 : memref<128x64xf32, #tpu.memory_space<vmem>>) dst(%dma_wait3A_41 : memref<10112x64xf32, #tpu.memory_space<vmem_shared>>)
        tpu.yield
      }) : () -> ()
    }
    %scan3A_13 = arith.constant 80 : i32
    %barrier3A_14 = arith.constant 0 : index
    tpu.barrier barrier_id(%barrier3A_14)
    %mul3A_15 = arith.constant 632 : i32
    %mul3A_16 = arith.muli %arg1, %mul3A_15 : i32
    %mul3A_17 = arith.constant 632 : i32
    %mul3A_18 = arith.muli %arg1, %mul3A_17 : i32
    "tpu.region"() ({
      %run_scoped3A = tpu.sem_alloc : memref<!tpu.dma_semaphore, #tpu.memory_space<semaphore_mem>>
      %dma_start3A = arith.constant 0 : i32
      %dma_start3A_19 = tpu.memref_slice %arg6[%arg0, %mul3A_18, %dma_start3A] : memref<2x10112x64xf32, #tpu.memory_space<hbm>> -> memref<1x632x64xf32, #tpu.memory_space<hbm>>
      %dma_start3A_20 = tpu.memref_squeeze %dma_start3A_19 : memref<1x632x64xf32, #tpu.memory_space<hbm>> -> memref<632x64xf32, #tpu.memory_space<hbm>>
      %dma_start3A_21 = arith.constant 0 : i32
      %dma_start3A_22 = tpu.memref_slice %arg10[%mul3A_16, %dma_start3A_21] : memref<10112x64xf32, #tpu.memory_space<vmem_shared>> -> memref<632x64xf32, #tpu.memory_space<vmem_shared>>
      tpu.enqueue_dma source(%dma_start3A_22 : memref<632x64xf32, #tpu.memory_space<vmem_shared>>) target(%dma_start3A_20 : memref<632x64xf32, #tpu.memory_space<hbm>>) target_semaphore(%run_scoped3A : memref<!tpu.dma_semaphore, #tpu.memory_space<semaphore_mem>>)
      %dma_wait3A = arith.constant 0 : i32
      %dma_wait3A_23 = tpu.memref_slice %arg6[%arg0, %mul3A_18, %dma_wait3A] : memref<2x10112x64xf32, #tpu.memory_space<hbm>> -> memref<1x632x64xf32, #tpu.memory_space<hbm>>
      %dma_wait3A_24 = tpu.memref_squeeze %dma_wait3A_23 : memref<1x632x64xf32, #tpu.memory_space<hbm>> -> memref<632x64xf32, #tpu.memory_space<hbm>>
      %dma_wait3A_25 = arith.constant 0 : i32
      %dma_wait3A_26 = tpu.memref_slice %arg10[%mul3A_16, %dma_wait3A_25] : memref<10112x64xf32, #tpu.memory_space<vmem_shared>> -> memref<632x64xf32, #tpu.memory_space<vmem_shared>>
      tpu.wait_dma2 semaphore(%run_scoped3A : memref<!tpu.dma_semaphore, #tpu.memory_space<semaphore_mem>>) src(%dma_wait3A_26 : memref<632x64xf32, #tpu.memory_space<vmem_shared>>) dst(%dma_wait3A_24 : memref<632x64xf32, #tpu.memory_space<hbm>>)
      tpu.yield
    }) : () -> ()
    return
  }
}

module attributes {stable_mosaic.version = 14 : i64} {
  func.func @_tc_pre_body(%arg0: memref<10000x128xf32, #tpu.memory_space<vmem>>, %arg1: memref<128x64xf32, #tpu.memory_space<vmem>>, %arg2: memref<2x10112x16xf32, #tpu.memory_space<vmem>>, %arg3: memref<10000x64xf32, #tpu.memory_space<vmem>>) attributes {dimension_semantics = [], scalar_prefetch = 0 : i64, scratch_operands = 0 : i64, tpu.core_type = #tpu.core_type<tc>} {
    %get3A = arith.constant 0 : index
    %get3A_0 = arith.constant 0 : index
    %get3A_1 = arith.constant 0 : index
    %get3A_2 = vector.load %arg2[%get3A, %get3A_0, %get3A_1] : memref<2x10112x16xf32, #tpu.memory_space<vmem>>, vector<1x10000x1xf32>
    %get3A_3 = vector.shape_cast %get3A_2 : vector<1x10000x1xf32> to vector<10000x1xf32>
    %get3A_4 = arith.constant 1 : index
    %get3A_5 = arith.constant 0 : index
    %get3A_6 = arith.constant 0 : index
    %get3A_7 = vector.load %arg2[%get3A_4, %get3A_5, %get3A_6] : memref<2x10112x16xf32, #tpu.memory_space<vmem>>, vector<1x10000x1xf32>
    %get3A_8 = vector.shape_cast %get3A_7 : vector<1x10000x1xf32> to vector<10000x1xf32>
    %add3A = arith.addf %get3A_3, %get3A_8 : vector<10000x1xf32>
    %add3A_9 = arith.constant 1.000000e+00 : f32
    %add3A_10 = vector.broadcast %add3A_9 : f32 to vector<10000x1xf32>
    %add3A_11 = arith.addf %add3A, %add3A_10 : vector<10000x1xf32>
    %rsqrt3A = math.rsqrt %add3A_11 : vector<10000x1xf32>
    %get3A_12 = arith.constant 0 : index
    %get3A_13 = arith.constant 0 : index
    %get3A_14 = vector.load %arg0[%get3A_12, %get3A_13] : memref<10000x128xf32, #tpu.memory_space<vmem>>, vector<10000x128xf32>
    %get3A_15 = arith.constant 0 : index
    %get3A_16 = arith.constant 0 : index
    %get3A_17 = vector.load %arg1[%get3A_15, %get3A_16] : memref<128x64xf32, #tpu.memory_space<vmem>>, vector<128x64xf32>
    %dot_general3A = arith.constant dense<0.000000e+00> : vector<10000x64xf32>
    %dot_general3A_18 = tpu.matmul %get3A_14, %get3A_17, %dot_general3A {dimension_numbers = #tpu.dot_dimension_numbers<[1], [0], [0], [1], [0, 0, 1, 1], [], []>, transpose_lhs_hint = false} : vector<10000x128xf32>, vector<128x64xf32>, vector<10000x64xf32> -> vector<10000x64xf32>
    %mul3A = vector.broadcast %rsqrt3A : vector<10000x1xf32> to vector<10000x64xf32>
    %mul3A_19 = arith.mulf %dot_general3A_18, %mul3A : vector<10000x64xf32>
    %swap3A = arith.constant 0 : index
    %swap3A_20 = arith.constant 0 : index
    %swap3A_21 = vector.load %arg3[%swap3A, %swap3A_20] : memref<10000x64xf32, #tpu.memory_space<vmem>>, vector<10000x64xf32>
    tpu.vector_store %arg3[%swap3A, %swap3A_20], %mul3A_19 {strides = array<i32>} : memref<10000x64xf32, #tpu.memory_space<vmem>>, vector<10000x64xf32>,
    return
  }
}

module attributes {stable_mosaic.version = 14 : i64} {
  func.func @_tc_mid_body(%arg0: memref<2x10112x64xf32, #tpu.memory_space<vmem>>, %arg1: memref<10000x64xf32, #tpu.memory_space<vmem>>, %arg2: memref<2x10112x16xf32, #tpu.memory_space<vmem>>, %arg3: memref<1x64xf32, #tpu.memory_space<vmem>>, %arg4: memref<1x64xf32, #tpu.memory_space<vmem>>, %arg5: memref<1x64xf32, #tpu.memory_space<vmem>>, %arg6: memref<64x64xf32, #tpu.memory_space<vmem>>, %arg7: memref<10000x64xf32, #tpu.memory_space<vmem>>) attributes {dimension_semantics = [], scalar_prefetch = 0 : i64, scratch_operands = 0 : i64, tpu.core_type = #tpu.core_type<tc>} {
    %get3A = arith.constant 0 : index
    %get3A_0 = arith.constant 0 : index
    %get3A_1 = arith.constant 0 : index
    %get3A_2 = vector.load %arg2[%get3A, %get3A_0, %get3A_1] : memref<2x10112x16xf32, #tpu.memory_space<vmem>>, vector<1x10000x1xf32>
    %get3A_3 = vector.shape_cast %get3A_2 : vector<1x10000x1xf32> to vector<10000x1xf32>
    %get3A_4 = arith.constant 1 : index
    %get3A_5 = arith.constant 0 : index
    %get3A_6 = arith.constant 0 : index
    %get3A_7 = vector.load %arg2[%get3A_4, %get3A_5, %get3A_6] : memref<2x10112x16xf32, #tpu.memory_space<vmem>>, vector<1x10000x1xf32>
    %get3A_8 = vector.shape_cast %get3A_7 : vector<1x10000x1xf32> to vector<10000x1xf32>
    %add3A = arith.addf %get3A_3, %get3A_8 : vector<10000x1xf32>
    %add3A_9 = arith.constant 1.000000e+00 : f32
    %add3A_10 = vector.broadcast %add3A_9 : f32 to vector<10000x1xf32>
    %add3A_11 = arith.addf %add3A, %add3A_10 : vector<10000x1xf32>
    %rsqrt3A = math.rsqrt %add3A_11 : vector<10000x1xf32>
    %get3A_12 = arith.constant 0 : index
    %get3A_13 = arith.constant 0 : index
    %get3A_14 = arith.constant 0 : index
    %get3A_15 = vector.load %arg0[%get3A_12, %get3A_13, %get3A_14] : memref<2x10112x64xf32, #tpu.memory_space<vmem>>, vector<1x10000x64xf32>
    %get3A_16 = vector.shape_cast %get3A_15 : vector<1x10000x64xf32> to vector<10000x64xf32>
    %get3A_17 = arith.constant 1 : index
    %get3A_18 = arith.constant 0 : index
    %get3A_19 = arith.constant 0 : index
    %get3A_20 = vector.load %arg0[%get3A_17, %get3A_18, %get3A_19] : memref<2x10112x64xf32, #tpu.memory_space<vmem>>, vector<1x10000x64xf32>
    %get3A_21 = vector.shape_cast %get3A_20 : vector<1x10000x64xf32> to vector<10000x64xf32>
    %add3A_22 = arith.addf %get3A_16, %get3A_21 : vector<10000x64xf32>
    %get3A_23 = arith.constant 0 : index
    %get3A_24 = arith.constant 0 : index
    %get3A_25 = vector.load %arg1[%get3A_23, %get3A_24] : memref<10000x64xf32, #tpu.memory_space<vmem>>, vector<10000x64xf32>
    %add3A_26 = arith.addf %add3A_22, %get3A_25 : vector<10000x64xf32>
    %mul3A = vector.broadcast %rsqrt3A : vector<10000x1xf32> to vector<10000x64xf32>
    %mul3A_27 = arith.mulf %mul3A, %add3A_26 : vector<10000x64xf32>
    %get3A_28 = arith.constant 0 : index
    %get3A_29 = arith.constant 0 : index
    %get3A_30 = vector.load %arg3[%get3A_28, %get3A_29] : memref<1x64xf32, #tpu.memory_space<vmem>>, vector<1x64xf32>
    %add3A_31 = vector.broadcast %get3A_30 : vector<1x64xf32> to vector<10000x64xf32>
    %add3A_32 = arith.addf %mul3A_27, %add3A_31 : vector<10000x64xf32>
    %reduce_sum3A = arith.constant dense<0.000000e+00> : vector<64xf32>
    %reduce_sum3A_33 = vector.multi_reduction <add>, %add3A_32, %reduce_sum3A [0] : vector<10000x64xf32> to vector<64xf32>
    %broadcast_in_dim3A = vector.shape_cast %reduce_sum3A_33 : vector<64xf32> to vector<1x64xf32>
    %div3A = arith.constant 1.000000e+04 : f32
    %div3A_34 = vector.broadcast %div3A : f32 to vector<1x64xf32>
    %div3A_35 = arith.divf %broadcast_in_dim3A, %div3A_34 : vector<1x64xf32>
    %sub3A = vector.broadcast %div3A_35 : vector<1x64xf32> to vector<10000x64xf32>
    %sub3A_36 = arith.subf %add3A_32, %sub3A : vector<10000x64xf32>
    %integer_pow3A = arith.mulf %sub3A_36, %sub3A_36 : vector<10000x64xf32>
    %reduce_sum3A_37 = arith.constant dense<0.000000e+00> : vector<64xf32>
    %reduce_sum3A_38 = vector.multi_reduction <add>, %integer_pow3A, %reduce_sum3A_37 [0] : vector<10000x64xf32> to vector<64xf32>
    %broadcast_in_dim3A_39 = vector.shape_cast %reduce_sum3A_38 : vector<64xf32> to vector<1x64xf32>
    %div3A_40 = arith.constant 1.000000e+04 : f32
    %div3A_41 = vector.broadcast %div3A_40 : f32 to vector<1x64xf32>
    %div3A_42 = arith.divf %broadcast_in_dim3A_39, %div3A_41 : vector<1x64xf32>
    %get3A_43 = arith.constant 0 : index
    %get3A_44 = arith.constant 0 : index
    %get3A_45 = vector.load %arg4[%get3A_43, %get3A_44] : memref<1x64xf32, #tpu.memory_space<vmem>>, vector<1x64xf32>
    %sub3A_46 = vector.broadcast %div3A_35 : vector<1x64xf32> to vector<10000x64xf32>
    %sub3A_47 = arith.subf %add3A_32, %sub3A_46 : vector<10000x64xf32>
    %mul3A_48 = vector.broadcast %get3A_45 : vector<1x64xf32> to vector<10000x64xf32>
    %mul3A_49 = arith.mulf %mul3A_48, %sub3A_47 : vector<10000x64xf32>
    %add3A_50 = arith.constant 9.99999974E-6 : f32
    %add3A_51 = vector.broadcast %add3A_50 : f32 to vector<1x64xf32>
    %add3A_52 = arith.addf %div3A_42, %add3A_51 : vector<1x64xf32>
    %rsqrt3A_53 = math.rsqrt %add3A_52 : vector<1x64xf32>
    %mul3A_54 = vector.broadcast %rsqrt3A_53 : vector<1x64xf32> to vector<10000x64xf32>
    %mul3A_55 = arith.mulf %mul3A_49, %mul3A_54 : vector<10000x64xf32>
    %get3A_56 = arith.constant 0 : index
    %get3A_57 = arith.constant 0 : index
    %get3A_58 = vector.load %arg5[%get3A_56, %get3A_57] : memref<1x64xf32, #tpu.memory_space<vmem>>, vector<1x64xf32>
    %add3A_59 = vector.broadcast %get3A_58 : vector<1x64xf32> to vector<10000x64xf32>
    %add3A_60 = arith.addf %mul3A_55, %add3A_59 : vector<10000x64xf32>
    %max3A = arith.constant 0.000000e+00 : f32
    %max3A_61 = vector.broadcast %max3A : f32 to vector<10000x64xf32>
    %max3A_62 = arith.maximumf %add3A_60, %max3A_61 : vector<10000x64xf32>
    %get3A_63 = arith.constant 0 : index
    %get3A_64 = arith.constant 0 : index
    %get3A_65 = vector.load %arg6[%get3A_63, %get3A_64] : memref<64x64xf32, #tpu.memory_space<vmem>>, vector<64x64xf32>
    %dot_general3A = arith.constant dense<0.000000e+00> : vector<10000x64xf32>
    %dot_general3A_66 = tpu.matmul %max3A_62, %get3A_65, %dot_general3A {dimension_numbers = #tpu.dot_dimension_numbers<[1], [0], [0], [1], [0, 0, 1, 1], [], []>, transpose_lhs_hint = false} : vector<10000x64xf32>, vector<64x64xf32>, vector<10000x64xf32> -> vector<10000x64xf32>
    %mul3A_67 = vector.broadcast %rsqrt3A : vector<10000x1xf32> to vector<10000x64xf32>
    %mul3A_68 = arith.mulf %dot_general3A_66, %mul3A_67 : vector<10000x64xf32>
    %swap3A = arith.constant 0 : index
    %swap3A_69 = arith.constant 0 : index
    %swap3A_70 = vector.load %arg7[%swap3A, %swap3A_69] : memref<10000x64xf32, #tpu.memory_space<vmem>>, vector<10000x64xf32>
    tpu.vector_store %arg7[%swap3A, %swap3A_69], %mul3A_68 {strides = array<i32>} : memref<10000x64xf32, #tpu.memory_space<vmem>>, vector<10000x64xf32>,
    return
  }
}

module attributes {stable_mosaic.version = 14 : i64} {
  func.func @_tc_fin_body(%arg0: memref<2x10112x64xf32, #tpu.memory_space<vmem>>, %arg1: memref<10000x64xf32, #tpu.memory_space<vmem>>, %arg2: memref<2x10112x16xf32, #tpu.memory_space<vmem>>, %arg3: memref<1x64xf32, #tpu.memory_space<vmem>>, %arg4: memref<1x64xf32, #tpu.memory_space<vmem>>, %arg5: memref<1x64xf32, #tpu.memory_space<vmem>>, %arg6: memref<1x10000xi32, #tpu.memory_space<vmem>>, %arg7: memref<64x32xf32, #tpu.memory_space<vmem>>, %arg8: memref<1x32xf32, #tpu.memory_space<vmem>>, %arg9: memref<32x2xf32, #tpu.memory_space<vmem>>, %arg10: memref<1x2xf32, #tpu.memory_space<vmem>>, %arg11: memref<128x2xf32, #tpu.memory_space<vmem>>) attributes {dimension_semantics = [], scalar_prefetch = 0 : i64, scratch_operands = 0 : i64, tpu.core_type = #tpu.core_type<tc>} {
    %get3A = arith.constant 0 : index
    %get3A_0 = arith.constant 0 : index
    %get3A_1 = arith.constant 0 : index
    %get3A_2 = vector.load %arg2[%get3A, %get3A_0, %get3A_1] : memref<2x10112x16xf32, #tpu.memory_space<vmem>>, vector<1x10000x1xf32>
    %get3A_3 = vector.shape_cast %get3A_2 : vector<1x10000x1xf32> to vector<10000x1xf32>
    %get3A_4 = arith.constant 1 : index
    %get3A_5 = arith.constant 0 : index
    %get3A_6 = arith.constant 0 : index
    %get3A_7 = vector.load %arg2[%get3A_4, %get3A_5, %get3A_6] : memref<2x10112x16xf32, #tpu.memory_space<vmem>>, vector<1x10000x1xf32>
    %get3A_8 = vector.shape_cast %get3A_7 : vector<1x10000x1xf32> to vector<10000x1xf32>
    %add3A = arith.addf %get3A_3, %get3A_8 : vector<10000x1xf32>
    %add3A_9 = arith.constant 1.000000e+00 : f32
    %add3A_10 = vector.broadcast %add3A_9 : f32 to vector<10000x1xf32>
    %add3A_11 = arith.addf %add3A, %add3A_10 : vector<10000x1xf32>
    %rsqrt3A = math.rsqrt %add3A_11 : vector<10000x1xf32>
    %get3A_12 = arith.constant 0 : index
    %get3A_13 = arith.constant 0 : index
    %get3A_14 = arith.constant 0 : index
    %get3A_15 = vector.load %arg0[%get3A_12, %get3A_13, %get3A_14] : memref<2x10112x64xf32, #tpu.memory_space<vmem>>, vector<1x10000x64xf32>
    %get3A_16 = vector.shape_cast %get3A_15 : vector<1x10000x64xf32> to vector<10000x64xf32>
    %get3A_17 = arith.constant 1 : index
    %get3A_18 = arith.constant 0 : index
    %get3A_19 = arith.constant 0 : index
    %get3A_20 = vector.load %arg0[%get3A_17, %get3A_18, %get3A_19] : memref<2x10112x64xf32, #tpu.memory_space<vmem>>, vector<1x10000x64xf32>
    %get3A_21 = vector.shape_cast %get3A_20 : vector<1x10000x64xf32> to vector<10000x64xf32>
    %add3A_22 = arith.addf %get3A_16, %get3A_21 : vector<10000x64xf32>
    %get3A_23 = arith.constant 0 : index
    %get3A_24 = arith.constant 0 : index
    %get3A_25 = vector.load %arg1[%get3A_23, %get3A_24] : memref<10000x64xf32, #tpu.memory_space<vmem>>, vector<10000x64xf32>
    %add3A_26 = arith.addf %add3A_22, %get3A_25 : vector<10000x64xf32>
    %mul3A = vector.broadcast %rsqrt3A : vector<10000x1xf32> to vector<10000x64xf32>
    %mul3A_27 = arith.mulf %mul3A, %add3A_26 : vector<10000x64xf32>
    %get3A_28 = arith.constant 0 : index
    %get3A_29 = arith.constant 0 : index
    %get3A_30 = vector.load %arg3[%get3A_28, %get3A_29] : memref<1x64xf32, #tpu.memory_space<vmem>>, vector<1x64xf32>
    %add3A_31 = vector.broadcast %get3A_30 : vector<1x64xf32> to vector<10000x64xf32>
    %add3A_32 = arith.addf %mul3A_27, %add3A_31 : vector<10000x64xf32>
    %reduce_sum3A = arith.constant dense<0.000000e+00> : vector<64xf32>
    %reduce_sum3A_33 = vector.multi_reduction <add>, %add3A_32, %reduce_sum3A [0] : vector<10000x64xf32> to vector<64xf32>
    %broadcast_in_dim3A = vector.shape_cast %reduce_sum3A_33 : vector<64xf32> to vector<1x64xf32>
    %div3A = arith.constant 1.000000e+04 : f32
    %div3A_34 = vector.broadcast %div3A : f32 to vector<1x64xf32>
    %div3A_35 = arith.divf %broadcast_in_dim3A, %div3A_34 : vector<1x64xf32>
    %sub3A = vector.broadcast %div3A_35 : vector<1x64xf32> to vector<10000x64xf32>
    %sub3A_36 = arith.subf %add3A_32, %sub3A : vector<10000x64xf32>
    %integer_pow3A = arith.mulf %sub3A_36, %sub3A_36 : vector<10000x64xf32>
    %reduce_sum3A_37 = arith.constant dense<0.000000e+00> : vector<64xf32>
    %reduce_sum3A_38 = vector.multi_reduction <add>, %integer_pow3A, %reduce_sum3A_37 [0] : vector<10000x64xf32> to vector<64xf32>
    %broadcast_in_dim3A_39 = vector.shape_cast %reduce_sum3A_38 : vector<64xf32> to vector<1x64xf32>
    %div3A_40 = arith.constant 1.000000e+04 : f32
    %div3A_41 = vector.broadcast %div3A_40 : f32 to vector<1x64xf32>
    %div3A_42 = arith.divf %broadcast_in_dim3A_39, %div3A_41 : vector<1x64xf32>
    %get3A_43 = arith.constant 0 : index
    %get3A_44 = arith.constant 0 : index
    %get3A_45 = vector.load %arg4[%get3A_43, %get3A_44] : memref<1x64xf32, #tpu.memory_space<vmem>>, vector<1x64xf32>
    %sub3A_46 = vector.broadcast %div3A_35 : vector<1x64xf32> to vector<10000x64xf32>
    %sub3A_47 = arith.subf %add3A_32, %sub3A_46 : vector<10000x64xf32>
    %mul3A_48 = vector.broadcast %get3A_45 : vector<1x64xf32> to vector<10000x64xf32>
    %mul3A_49 = arith.mulf %mul3A_48, %sub3A_47 : vector<10000x64xf32>
    %add3A_50 = arith.constant 9.99999974E-6 : f32
    %add3A_51 = vector.broadcast %add3A_50 : f32 to vector<1x64xf32>
    %add3A_52 = arith.addf %div3A_42, %add3A_51 : vector<1x64xf32>
    %rsqrt3A_53 = math.rsqrt %add3A_52 : vector<1x64xf32>
    %mul3A_54 = vector.broadcast %rsqrt3A_53 : vector<1x64xf32> to vector<10000x64xf32>
    %mul3A_55 = arith.mulf %mul3A_49, %mul3A_54 : vector<10000x64xf32>
    %get3A_56 = arith.constant 0 : index
    %get3A_57 = arith.constant 0 : index
    %get3A_58 = vector.load %arg5[%get3A_56, %get3A_57] : memref<1x64xf32, #tpu.memory_space<vmem>>, vector<1x64xf32>
    %add3A_59 = vector.broadcast %get3A_58 : vector<1x64xf32> to vector<10000x64xf32>
    %add3A_60 = arith.addf %mul3A_55, %add3A_59 : vector<10000x64xf32>
    %max3A = arith.constant 0.000000e+00 : f32
    %max3A_61 = vector.broadcast %max3A : f32 to vector<10000x64xf32>
    %max3A_62 = arith.maximumf %add3A_60, %max3A_61 : vector<10000x64xf32>
    %iota3A = tpu.iota {dimensions = array<i32: 0>} : vector<128x10000xi32>
    %get3A_63 = arith.constant 0 : index
    %get3A_64 = arith.constant 0 : index
    %get3A_65 = vector.load %arg6[%get3A_63, %get3A_64] : memref<1x10000xi32, #tpu.memory_space<vmem>>, vector<1x10000xi32>
    %eq3A = vector.broadcast %get3A_65 : vector<1x10000xi32> to vector<128x10000xi32>
    %eq3A_66 = arith.cmpi eq, %iota3A, %eq3A : vector<128x10000xi32>
    %convert_element_type3A = arith.extui %eq3A_66 : vector<128x10000xi1> to vector<128x10000xi32>
    %convert_element_type3A_67 = arith.sitofp %convert_element_type3A : vector<128x10000xi32> to vector<128x10000xf32>
    %dot_general3A = arith.constant dense<0.000000e+00> : vector<128x64xf32>
    %dot_general3A_68 = tpu.matmul %convert_element_type3A_67, %max3A_62, %dot_general3A {dimension_numbers = #tpu.dot_dimension_numbers<[1], [0], [0], [1], [0, 0, 1, 1], [], []>, transpose_lhs_hint = false} : vector<128x10000xf32>, vector<10000x64xf32>, vector<128x64xf32> -> vector<128x64xf32>
    %reduce_sum3A_69 = arith.constant dense<0.000000e+00> : vector<128xf32>
    %reduce_sum3A_70 = vector.multi_reduction <add>, %convert_element_type3A_67, %reduce_sum3A_69 [1] : vector<128x10000xf32> to vector<128xf32>
    %broadcast_in_dim3A_71 = vector.shape_cast %reduce_sum3A_70 : vector<128xf32> to vector<128x1xf32>
    %max3A_72 = arith.constant 1.000000e+00 : f32
    %max3A_73 = vector.broadcast %max3A_72 : f32 to vector<128x1xf32>
    %max3A_74 = arith.maximumf %broadcast_in_dim3A_71, %max3A_73 : vector<128x1xf32>
    %div3A_75 = vector.broadcast %max3A_74 : vector<128x1xf32> to vector<128x64xf32>
    %div3A_76 = arith.divf %dot_general3A_68, %div3A_75 : vector<128x64xf32>
    %get3A_77 = arith.constant 0 : index
    %get3A_78 = arith.constant 0 : index
    %get3A_79 = vector.load %arg7[%get3A_77, %get3A_78] : memref<64x32xf32, #tpu.memory_space<vmem>>, vector<64x32xf32>
    %dot_general3A_80 = arith.constant dense<0.000000e+00> : vector<128x32xf32>
    %dot_general3A_81 = tpu.matmul %div3A_76, %get3A_79, %dot_general3A_80 {dimension_numbers = #tpu.dot_dimension_numbers<[1], [0], [0], [1], [0, 0, 1, 1], [], []>, transpose_lhs_hint = false} : vector<128x64xf32>, vector<64x32xf32>, vector<128x32xf32> -> vector<128x32xf32>
    %get3A_82 = arith.constant 0 : index
    %get3A_83 = arith.constant 0 : index
    %get3A_84 = vector.load %arg8[%get3A_82, %get3A_83] : memref<1x32xf32, #tpu.memory_space<vmem>>, vector<1x32xf32>
    %add3A_85 = vector.broadcast %get3A_84 : vector<1x32xf32> to vector<128x32xf32>
    %add3A_86 = arith.addf %dot_general3A_81, %add3A_85 : vector<128x32xf32>
    %max3A_87 = arith.constant 0.000000e+00 : f32
    %max3A_88 = vector.broadcast %max3A_87 : f32 to vector<128x32xf32>
    %max3A_89 = arith.maximumf %add3A_86, %max3A_88 : vector<128x32xf32>
    %get3A_90 = arith.constant 0 : index
    %get3A_91 = arith.constant 0 : index
    %get3A_92 = vector.load %arg9[%get3A_90, %get3A_91] : memref<32x2xf32, #tpu.memory_space<vmem>>, vector<32x2xf32>
    %dot_general3A_93 = arith.constant dense<0.000000e+00> : vector<128x2xf32>
    %dot_general3A_94 = tpu.matmul %max3A_89, %get3A_92, %dot_general3A_93 {dimension_numbers = #tpu.dot_dimension_numbers<[1], [0], [0], [1], [0, 0, 1, 1], [], []>, transpose_lhs_hint = false} : vector<128x32xf32>, vector<32x2xf32>, vector<128x2xf32> -> vector<128x2xf32>
    %get3A_95 = arith.constant 0 : index
    %get3A_96 = arith.constant 0 : index
    %get3A_97 = vector.load %arg10[%get3A_95, %get3A_96] : memref<1x2xf32, #tpu.memory_space<vmem>>, vector<1x2xf32>
    %add3A_98 = vector.broadcast %get3A_97 : vector<1x2xf32> to vector<128x2xf32>
    %add3A_99 = arith.addf %dot_general3A_94, %add3A_98 : vector<128x2xf32>
    %swap3A = arith.constant 0 : index
    %swap3A_100 = arith.constant 0 : index
    %swap3A_101 = vector.load %arg11[%swap3A, %swap3A_100] : memref<128x2xf32, #tpu.memory_space<vmem>>, vector<128x2xf32>
    tpu.vector_store %arg11[%swap3A, %swap3A_100], %add3A_99 {strides = array<i32>} : memref<128x2xf32, #tpu.memory_space<vmem>>, vector<128x2xf32>,
    return
  }
}

</mosaic_0001>

<sc_bundles>
// kernel: kernel.10.cloned.1.call-start
scs
__scs_entry_jumppad:
0x0: {  	(pc) =	sbr.rel $0x88, $3  }
0x1: {  	(tag) =	ssettag $0x0;
	lr =	simm.s32 $0x1  }
0x2: {  	[smem:$0x3F8E] =	sst lr;
	_ =	strace $0xD0000000  }
0x3: {  	_ = 	snop  }
0x4: {  	_ = 	snop  }
0x5: {  	_ = 	snop  }
0x6: {  	_ = 	snop  }
0x7: {  	_ = 	snop  }
__scs_overlays_trampoline_lowered:
0x8: {  	[smem:$0x3F9D] =	sst s0  }
0x9: {  	[smem:$0x3F9E] =	sst s1  }
0xa: {  	[smem:$0x3F9F] =	sst s2  }
0xb: {  	[smem:$0x3FA0] =	sst s3  }
0xc: {  	[smem:$0x3FA1] =	sst s4  }
0xd: {  	[smem:$0x3FA2] =	sst s5  }
0xe: {  	[smem:$0x3FA3] =	sst s6  }
0xf: {  	[smem:$0x3FA4] =	sst s7  }
0x10: {  	[smem:$0x3FA5] =	sst s8  }
0x11: {  	[smem:$0x3FA6] =	sst s9;
	s0 =	simm.s32 @!p0 $0x0  }
0x12: {  	s1 =	sld [smem:$0x3F8C];
	s0 =	simm.s32 @p0 $0x1  }
0x13: {  	[smem:$0x3FA7] =	sst s0;
	s0 =	simm.s32 @!p1 $0x0  }
0x14: {  	s2 =	sld [smem:$0x3F8B];
	s0 =	simm.s32 @p1 $0x1  }
0x15: {  	[smem:$0x3FA8] =	sst s0;
	s0 =	simm.s32 @!p2 $0x0  }
0x16: {  	s3 =	sld [smem:$0x3FDB];
	s0 =	simm.s32 @p2 $0x1  }
0x17: {  	s4 =	simm.s32 $0x1BF5;
	[smem:$0x3FAA] =	sst s0  }
0x18: {  	s0 =	sld [smem:$0x3F8D];
	_ =	swait.ge [sflag:s4], $0x0  }
0x19: {  	s7 =	sld [smem:$0x3F8E]  }
0x1a: {  	s8 =	sadd.s32 $0xFFFFE003, lr  }
0x1b: {  	s9 =	sadd.s32 $0xFFFFFEF7, lr;
	s5 =	simm.s32 $0xFFFFFFFF;
	p2 =	slt.u32 s8, $0xFFFFF086  }
0x1c: {  	p1 =	slt.u32 s9, $0xF7A;
	s5 =	simm.s32 @!p2 $0x0  }
0x1d: {  	s5 =	simm.s32 @p1 $0x1;
	p0 =	seq.s32 s7, s2  }
0x1e: {  	s7 =	smul.u32 @!p0 $0xF7A, s2;
	p2 =	seq.s32 @!p0 s5, $0x0  }
0x1f: {  	s9 =	smul.u32 $0xF7A, s1;
	s8 =	simm.s32 @!p0 $0x1BF5;
	p2 =	por !p2, p0  }
0x20: {  	[sflag:s8] =	ssyncset.s32 @!p0 $0xFFFFF086;
	s6 =	sadd.s32 @!p0 s3, s7;
	s7 =	simm.s32 @!p0 $0x108  }
0x21: {  	s3 =	sadd.s32 s3, s9;
	s6 =	sadd.s32 @!p0 $0x88, s6;
	s7 =	simm.s32 @p2 $0x1082  }
0x22: {  	[simem:s7], [sflag:s8] =	dma.local @!p0 [hbm:s6], $0xF7A  }
0x23: {  	s9 =	sor.u32 $0xD0000000, s2;
	s6 =	simm.s32 $0x108;
	_ =	swait.ge @!p0 [sflag:s8], $0x0  }
0x24: {  	s3 =	sadd.s32 $0x88, s3;
	s6 =	simm.s32 @!p1 $0x1082;
	[sflag:s4] =	ssyncset.s32 $0xFFFFF086  }
0x25: {  	[simem:s6], [sflag:s4] =	dma.local [hbm:s3], $0xF7A  }
0x26: {  	[smem:$0x3F8E] =	sst s1;
	(tag) =	ssettag s2;
	_ =	strace s9  }
0x27: {  	s1 =	sld [smem:$0x3F9E]  }
0x28: {  	s2 =	sld [smem:$0x3F9F]  }
0x29: {  	s4 =	sld [smem:$0x3FA1]  }
0x2a: {  	p0 =	seq.s32 s5, $0x0;
	s5 =	sld [smem:$0x3FA2]  }
0x2b: {  	s6 =	sld [smem:$0x3FA3]  }
0x2c: {  	s7 =	sld [smem:$0x3FA4]  }
0x2d: {  	s3 =	simm.s32 $0x108;
	s8 =	sld [smem:$0x3FA5]  }
0x2e: {  	s3 =	simm.s32 @!p0 $0x1082;
	s9 =	sld [smem:$0x3FA6]  }
0x2f: {  	lr =	sadd.s32 s0, s3;
	s0 =	sld [smem:$0x3F9D]  }
0x30: {  	s3 =	sld [smem:$0x3FA0]  }
0x31: {  	[smem:$0x3FA9] =	sst s10  }
0x32: {  	s10 =	sld [smem:$0x3FA7];
	_ =	sdelay $0x3  }
0x33: {  	p0 =	seq.s32 s10, $0x1;
	s10 =	sld [smem:$0x3FA9];
	_ =	sdelay $0x3  }
0x34: {  	[smem:$0x3FA9] =	sst s10  }
0x35: {  	s10 =	sld [smem:$0x3FA8];
	_ =	sdelay $0x3  }
0x36: {  	p1 =	seq.s32 s10, $0x1;
	s10 =	sld [smem:$0x3FA9];
	_ =	sdelay $0x3  }
0x37: {  	[smem:$0x3FA9] =	sst s10  }
0x38: {  	s10 =	sld [smem:$0x3FAA]  }
0x39: {  	_ = 	snop;
	(pc) =	sbr.ind lr, $3  }
0x3a: {  	_ = 	snop  }
0x3b: {  	_ = 	snop  }
0x3c: {  	p2 =	seq.s32 s10, $0x1;
	s10 =	sld [smem:$0x3FA9]  }
0x3d: {  	_ =	shalt  }
0x3e: {  	_ =	shalt  }
0x3f: {  	_ =	shalt  }
0x40: {  	_ =	shalt  }
0x41: {  	_ =	shalt  }
0x42: {  	_ =	shalt  }
0x43: {  	_ =	shalt  }
0x44: {  	_ =	shalt  }
0x45: {  	_ =	shalt  }
0x46: {  	_ =	shalt  }
0x47: {  	_ =	shalt  }
0x48: {  	_ =	shalt  }
0x49: {  	_ =	shalt  }
0x4a: {  	_ =	shalt  }
0x4b: {  	_ =	shalt  }
0x4c: {  	_ =	shalt  }
0x4d: {  	_ =	shalt  }
0x4e: {  	_ =	shalt  }
0x4f: {  	_ =	shalt  }
0x50: {  	_ =	shalt  }
0x51: {  	_ =	shalt  }
0x52: {  	_ =	shalt  }
0x53: {  	_ =	shalt  }
0x54: {  	_ =	shalt  }
0x55: {  	_ =	shalt  }
0x56: {  	_ =	shalt  }
0x57: {  	_ =	shalt  }
0x58: {  	_ =	shalt  }
0x59: {  	_ =	shalt  }
0x5a: {  	_ =	shalt  }
0x5b: {  	_ =	shalt  }
0x5c: {  	_ =	shalt  }
0x5d: {  	_ =	shalt  }
0x5e: {  	_ =	shalt  }
0x5f: {  	_ =	shalt  }
0x60: {  	_ =	shalt  }
0x61: {  	_ =	shalt  }
0x62: {  	_ =	shalt  }
0x63: {  	_ =	shalt  }
0x64: {  	_ =	shalt  }
0x65: {  	_ =	shalt  }
0x66: {  	_ =	shalt  }
0x67: {  	_ =	shalt  }
0x68: {  	_ =	shalt  }
0x69: {  	_ =	shalt  }
0x6a: {  	_ =	shalt  }
0x6b: {  	_ =	shalt  }
0x6c: {  	_ =	shalt  }
0x6d: {  	_ =	shalt  }
0x6e: {  	_ =	shalt  }
0x6f: {  	_ =	shalt  }
0x70: {  	_ =	shalt  }
0x71: {  	_ =	shalt  }
0x72: {  	_ =	shalt  }
0x73: {  	_ =	shalt  }
0x74: {  	_ =	shalt  }
0x75: {  	_ =	shalt  }
0x76: {  	_ =	shalt  }
0x77: {  	_ =	shalt  }
0x78: {  	_ =	shalt  }
0x79: {  	_ =	shalt  }
0x7a: {  	_ =	shalt  }
0x7b: {  	_ =	shalt  }
0x7c: {  	_ =	shalt  }
0x7d: {  	_ =	shalt  }
0x7e: {  	_ =	shalt  }
0x7f: {  	_ =	shalt  }
0x80: {  	_ =	shalt  }
0x81: {  	_ =	shalt  }
0x82: {  	_ =	shalt  }
0x83: {  	_ =	shalt  }
0x84: {  	_ =	shalt  }
0x85: {  	_ =	shalt  }
0x86: {  	_ =	shalt  }
0x87: {  	_ =	shalt  }
.Lfunc_end0:
.L_simem_size_0:
called_computation_lowered:
.L_overlay_start_0:
0x88: {  	s2 =	sld [smem:$0x3FD9]  }
0x89: {  	s3 =	sld [smem:$0x3FFE];
	_ =	sdelay $0x1  }
0x8a: {  	s1 =	srdreg.scid  }
0x8b: {  	s0 =	sand.u32 $0x1, s1  }
0x8c: {  	s16 =	sshll.u32 s0, $0xA;
	s2 =	sadd.s32 s3, s2  }
0x8d: {  	s2 =	sadd.s32 s2, s16  }
0x8e: {  	[smem:$0x3FB5] =	sst s2  }
0x8f: {  	_ = 	snop  }
0x90: {  	(tm) =	ssettm $0x1  }
0x91: {  	s17 =	sld [smem:$0x3FFB];
	_ =	sdelay $0x3  }
0x92: {  	_ =	strace s17  }
0x93: {  	s2 =	sld [smem:$0x3FFC];
	_ =	sdelay $0x3  }
0x94: {  	_ =	strace s2  }
0x95: {  	s2 =	sld [smem:$0x3FFD];
	_ =	sdelay $0x3  }
0x96: {  	_ =	strace s2  }
0x97: {  	_ =	strace $0x8FFFFFFF  }
0x98: {  	s18 =	sld [smem:$0x3FDB];
	_ =	sdelay $0x1  }
0x99: {  	s19 =	simm.s32 $_scs_section_size  }
0x9a: {  	s4 =	simm.s32 $_size__tile_overlayer_lowered;
	s5 =	simm.s32 $_tile_overlayer_lowered  }
0x9b: {  	s22 =	simm.s32 $0x1BFF;
	s21 =	sshll.u32 s5, $0x1;
	s2 =	sadd.s32 s19, s18  }
0x9c: {  	s6 =	simm.s32 $0x0;
	s20 =	sshll.u32 s4, $0x1;
	s4 =	sadd.s32 s21, s2  }
0x9d: {  	[timem:s6], [sflag:s22] =	dma.local [hbm:s4], s20  }
0x9e: {  	_ =	swait.ge [sflag:s22], s20  }
0x9f: {  	s3 =	ssub.s32 $0x0, s20;
	[sflag:s22] =	ssyncset.done $0x0  }
0xa0: {  	[sflag:s22] =	ssyncadd.s32 s3;
	_ =	sdelay $0x1  }
0xa1: {  	s23 =	simm.s32 $0x1B8B  }
0xa2: {  	_ =	swait.ge [sflag:s23], $0x1  }
0xa3: {  	[sflag:s23] =	ssyncset.done $0x0  }
0xa4: {  	s25 =	simm.s32 $0x1B8E;
	s24 =	sld [smem:$0x3FFE];
	[sflag:s23] =	ssyncadd.s32 $0xFFFFFFFF  }
0xa5: {  	s26 =	simm.s32 $execute0_lowered;
	[smem:$0x3FD2] =	sst s25  }
0xa6: {  	s4 =	sshll.u32 s26, $0x1;
	_ =	strace $0x80000046;
	[dreg:$0x1] =	wrdreg $0xFFFFFFFF  }
0xa7: {  	s28 =	simm.s32 $_size_execute0_lowered;
	s2 =	sadd.s32 s2, s4;
	[dreg:$0x0] =	wrdreg $0x0  }
0xa8: {  	s4 =	sshll.u32 s28, $0x1;
	[dreg:$0x2] =	wrdreg s2  }
0xa9: {  	[dreg:$0x3] =	wrdreg s4  }
0xaa: {  	[dreg:$0x4] =	wrdreg $0xC0  }
0xab: {  	_ =	task [dreg:s6], $0x5FFFF  }
0xac: {  	[dreg:$0x1] =	wrdreg $0xFFFFFFFF  }
0xad: {  	[dreg:$0x0] =	wrdreg $0x60  }
0xae: {  	[dreg:$0x2] =	wrdreg s24  }
0xaf: {  	[dreg:$0x3] =	wrdreg $0x30000  }
0xb0: {  	[dreg:$0x4] =	wrdreg $0x9  }
0xb1: {  	_ =	task.clear_ibuf [dreg:s6], $0x5FFFF;
	_ =	strace $0x90000046  }
0xb2: {  	s29 =	simm.s32 $0x9;
	_ =	strace $0x80000048  }
0xb3: {  	_ =	swait.ge [sflag:s29], $0x1  }
0xb4: {  	[sflag:s29] =	ssyncadd.s32 $0xFFFFFFFF  }
0xb5: {  	_ =	strace $0x90000048  }
0xb6: {  	_ =	sfence  }
0xb7: {  	s30 =	sld [smem:$0x0];
	_ =	sdelay $0x2  }
0xb8: {  	s31 =	sshll.u32 s1, $0xD;
	s1 =	sshrl.u32 s1, $0x2  }
0xb9: {  	s3 =	sand.u32 $0x4000, s31;
	s1 =	sadd.s32 s1, s30  }
0xba: {  	s0 =	sor.u32 s3, s0;
	s1 =	sshll.u32 s1, $0x11  }
0xbb: {  	s0 =	sor.u32 s1, s0  }
0xbc: {  	s0 =	sadd.s32 $0x8F2B, s0  }
0xbd: {  	[sflag:s0] =	ssyncadd.remote.s32 $0x1  }
0xbe: {  	_ =	sfence.sel $0xFFFF  }
0xbf: {  	[dreg:$0x0] =	wrdreg $0xFFFFFFFF;
	(pc) =	sbr.abs _section_cstart, $3  }
0xc0: {  	[dreg:$0x1] =	wrdreg $0xFFFFFFFF  }
0xc1: {  	_ =	task.clear_ibuf [dreg:s6], $0x2FFFF;
	_ =	strace $0x9FFFFFFF  }
0xc2: {  	(tm) =	ssettm $0x7FFFFFFF  }
0xc3: {  	_ =	shalt  }
tec
execute0_lowered:
.L_overlay_start_1:
0x0: {  	(tag) =	ssettag $0x1  }
0x1: {  	s6 =	rddreg [dreg:$0x0]  }
0x2: {  	s0 =	srdreg.scid;
	s2 =	rddreg [dreg:$0x1]  }
0x3: {  	s3 =	simm.s32 $0x0;
	s5 =	sand.u32 $0x1, s0;
	s0 =	stileid.u32  }
0x4: {  	s13 =	simm.s32 $0x80;
	s14 =	simm.s32 $0x0;
	s7 =	smul.u32 $0x2780, s0  }
0x5: {  	[smem:$0x7FF] =	sst s3;
	s1 =	sshll.u32 s5, $0x4;
	s8 =	smul.u32 $0x27800, s5  }
0x6: {  	s5 =	ssub.s32 $0x2, s5;
	s31 =	sshll.u32 s0, $0x6;
	s1 =	sor.u32 s0, s1  }
0x7: {  	s11 =	sshrl.u32 s5, $0x1;
	s4 =	smul.u32 $0x500, s1;
	s1 =	rddreg [dreg:$0x2]  }
0x8: {  	_ =	strace $0x80000047;
	s8 =	sadd.s32 s7, s8;
	s10 =	sshrl.u32 s7, $0x3  }
0x9: {  	s11 =	ssub.s32 s5, s11;
	s12 =	sadd.s32 s7, s2;
	s8 =	sshrl.u32 s8, $0x3  }
0xa: {  	s10 =	sadd.s32 s10, s6;
	s12 =	sshrl.u32 s12, $0x3;
	s9 =	sadd.s32 s4, s6  }
0xb: {  	s4 =	sadd.s32 $0x12E00, s6;
	s8 =	sadd.s32 s8, s6;
	s6 =	sadd.s32 $0xDE00, s10  }
0xc: {  	s10 =	simm.s32 $0x2800;
	s5 =	sadd.s32 $0x3E00, s9;
	s7 =	sadd.s32 $0x13000, s8  }
0xd: {  	s8 =	smax.u32 s11, $0x1;
	s9 =	simm.s32 $0x1;
	s11 =	sor.u32 $0x1C01, s31  }
.LBB2_1:
0xe: {  	[tilespmem:s3], [sflag:$0x1] =	stream.linear.gather [hbm4b:s5+s3], $0x2800, $0x38;
	[tilespmem:$0x5780] =	vst v63  }
0xf: {  	_ =	swait.ge [sflag:s9], $0x2800  }
0x10: {  	[sflag:s9] =	ssyncset.done $0x0  }
0x11: {  	[sflag:s9] =	ssyncadd.s32 $0xFFFFD800  }
0x12: {  	[tilespmem:s10], [sflag:$0x1] =	stream.linear.gather [hbm4b:s4+s3], $0x800, $0x38;
	[tilespmem:$0x5780] =	vst v63  }
0x13: {  	_ =	swait.ge [sflag:s9], $0x800  }
0x14: {  	[sflag:s9] =	ssyncset.done $0x0  }
0x15: {  	[sflag:s9] =	ssyncadd.s32 $0xFFFFF800  }
0x16: {  	[spmem:s12], [sflag:s11] =	dma.local [hbm:s6], $0x4F0  }
0x17: {  	_ =	swait.ge [sflag:s9], $0x4F0  }
0x18: {  	[sflag:s9] =	ssyncset.done $0x0  }
0x19: {  	[sflag:s9] =	ssyncadd.s32 $0xFFFFFB10  }
0x1a: {  	s15 =	simm.s32 $0x0;
	[bflag:$0x0] =	sbarrier.arrive $0xFFFF  }
0x1b: {  	[spmem:s2] =	stream.indirect.scatter.add.f32 [tilespmem:s10], [sflag:$0x1], $0x10, s15, s13, $0xb8;
	[tilespmem:$0x5780] =	vst v63  }
0x1c: {  	_ =	swait.ge [sflag:s9], $0x800  }
0x1d: {  	s15 =	simm.s32 $0x200;
	[sflag:s9] =	ssyncset.done $0x0  }
.LBB2_2:
0x1e: {  	s16 =	sshra.s32 s15, $0x2;
	[sflag:s9] =	ssyncadd.s32 $0xFFFFF800;
	p0 =	sne.s32 s15, $0x9E00  }
0x1f: {  	[spmem:s2] =	stream.indirect.scatter.add.f32 [tilespmem:s10], [sflag:$0x1], $0x10, s16, s13, $0xb8;
	[tilespmem:$0x5780] =	vst v63  }
.Ltmp0:
0x20: {  	_ = 	snop;
	(pc) =	sbr.rel @p0 .LBB2_2-.Ltmp0, $4  }
0x21: {  	_ = 	snop  }
0x22: {  	s15 =	sadd.s32 $0x200, s15  }
0x23: {  	_ =	swait.ge [sflag:s9], $0x800  }
0x24: {  	[sflag:s9] =	ssyncset.done $0x0  }
0x25: {  	s14 =	sadd.s32 $0x1, s14  }
0x26: {  	[sflag:s9] =	ssyncadd.s32 $0xFFFFF800;
	p0 =	sne.s32 s14, s8  }
.Ltmp1:
0x27: {  	[bflag:$0x0] =	sbarrier.arrive $0xFFFF;
	(pc) =	sbr.rel @p0 .LBB2_1-.Ltmp1, $4  }
0x28: {  	[hbm:s7], [sflag:s11] =	dma.local [spmem:s12], $0x4F0  }
0x29: {  	_ =	swait.ge [sflag:s9], $0x4F0  }
0x2a: {  	[sflag:s9] =	ssyncset.done $0x0  }
0x2b: {  	[sflag:s9] =	ssyncadd.s32 $0xFFFFFB10  }
0x2c: {  	_ =	sfence.sel $0x180000  }
0x2d: {  	[bflag:$0x0] =	sbarrier.arrive $0xFFFF  }
0x2e: {  	p0 =	sne.s32 s0, $0x0;
	_ =	strace $0x90000047  }
0x2f: {  	s0 =	sadd.s32 @!p0 $0x100000, s1;
	[bflag:$0x2] =	sbarrier.arrive $0xFFFF  }
0x30: {  	[sflag:s0] =	ssyncadd.tile.s32 @!p0 $0x1;
	_ =	shalt  }
.Lfunc_end2:
_tile_overlayer_lowered:
.L_overlay_start_2:
0x31: {  	(tag) =	ssettag $0x2  }
0x32: {  	s0 =	rddreg [dreg:$0x0];
	s2 =	stileid.u32  }
0x33: {  	s1 =	rddreg [dreg:$0x1];
	p0 =	sne.s32 s2, $0x0  }
0x34: {  	s3 =	rddreg [dreg:$0x2];
	[bflag:$0x3] =	sbarrier.arrive $0xFFFF;
	s2 =	simm.s32 @!p0 $0x1C01  }
0x35: {  	[timem:s3], [sflag:s2] =	dma.local @!p0 [hbm:s0], s1  }
0x36: {  	s0 =	simm.s32 @!p0 $0x1  }
0x37: {  	_ =	swait.ge @!p0 [sflag:s0], s1  }
0x38: {  	s1 =	ssub.s32 @!p0 $0x0, s1;
	[sflag:s0] =	ssyncset.done @!p0 $0x0  }
0x39: {  	[sflag:s0] =	ssyncadd.s32 @!p0 s1  }
0x3a: {  	[bflag:$0x3] =	sbarrier.arrive $0xFFFF  }
0x3b: {  	_ =	shalt  }

// kernel: kernel.13.cloned.1.call-start
scs
__scs_entry_jumppad:
0x0: {  	(pc) =	sbr.rel $0x88, $3  }
0x1: {  	(tag) =	ssettag $0x0;
	lr =	simm.s32 $0x1  }
0x2: {  	[smem:$0x3F8E] =	sst lr;
	_ =	strace $0xD0000000  }
0x3: {  	_ = 	snop  }
0x4: {  	_ = 	snop  }
0x5: {  	_ = 	snop  }
0x6: {  	_ = 	snop  }
0x7: {  	_ = 	snop  }
__scs_overlays_trampoline_lowered:
0x8: {  	[smem:$0x3F9D] =	sst s0  }
0x9: {  	[smem:$0x3F9E] =	sst s1  }
0xa: {  	[smem:$0x3F9F] =	sst s2  }
0xb: {  	[smem:$0x3FA0] =	sst s3  }
0xc: {  	[smem:$0x3FA1] =	sst s4  }
0xd: {  	[smem:$0x3FA2] =	sst s5  }
0xe: {  	[smem:$0x3FA3] =	sst s6  }
0xf: {  	[smem:$0x3FA4] =	sst s7  }
0x10: {  	[smem:$0x3FA5] =	sst s8  }
0x11: {  	[smem:$0x3FA6] =	sst s9;
	s0 =	simm.s32 @!p0 $0x0  }
0x12: {  	s1 =	sld [smem:$0x3F8C];
	s0 =	simm.s32 @p0 $0x1  }
0x13: {  	[smem:$0x3FA7] =	sst s0;
	s0 =	simm.s32 @!p1 $0x0  }
0x14: {  	s2 =	sld [smem:$0x3F8B];
	s0 =	simm.s32 @p1 $0x1  }
0x15: {  	[smem:$0x3FA8] =	sst s0;
	s0 =	simm.s32 @!p2 $0x0  }
0x16: {  	s3 =	sld [smem:$0x3FDB];
	s0 =	simm.s32 @p2 $0x1  }
0x17: {  	s4 =	simm.s32 $0x1BF5;
	[smem:$0x3FAA] =	sst s0  }
0x18: {  	s0 =	sld [smem:$0x3F8D];
	_ =	swait.ge [sflag:s4], $0x0  }
0x19: {  	s7 =	sld [smem:$0x3F8E]  }
0x1a: {  	s8 =	sadd.s32 $0xFFFFE003, lr  }
0x1b: {  	s9 =	sadd.s32 $0xFFFFFEF7, lr;
	s5 =	simm.s32 $0xFFFFFFFF;
	p2 =	slt.u32 s8, $0xFFFFF086  }
0x1c: {  	p1 =	slt.u32 s9, $0xF7A;
	s5 =	simm.s32 @!p2 $0x0  }
0x1d: {  	s5 =	simm.s32 @p1 $0x1;
	p0 =	seq.s32 s7, s2  }
0x1e: {  	s7 =	smul.u32 @!p0 $0xF7A, s2;
	p2 =	seq.s32 @!p0 s5, $0x0  }
0x1f: {  	s9 =	smul.u32 $0xF7A, s1;
	s8 =	simm.s32 @!p0 $0x1BF5;
	p2 =	por !p2, p0  }
0x20: {  	[sflag:s8] =	ssyncset.s32 @!p0 $0xFFFFF086;
	s6 =	sadd.s32 @!p0 s3, s7;
	s7 =	simm.s32 @!p0 $0x108  }
0x21: {  	s3 =	sadd.s32 s3, s9;
	s6 =	sadd.s32 @!p0 $0x88, s6;
	s7 =	simm.s32 @p2 $0x1082  }
0x22: {  	[simem:s7], [sflag:s8] =	dma.local @!p0 [hbm:s6], $0xF7A  }
0x23: {  	s9 =	sor.u32 $0xD0000000, s2;
	s6 =	simm.s32 $0x108;
	_ =	swait.ge @!p0 [sflag:s8], $0x0  }
0x24: {  	s3 =	sadd.s32 $0x88, s3;
	s6 =	simm.s32 @!p1 $0x1082;
	[sflag:s4] =	ssyncset.s32 $0xFFFFF086  }
0x25: {  	[simem:s6], [sflag:s4] =	dma.local [hbm:s3], $0xF7A  }
0x26: {  	[smem:$0x3F8E] =	sst s1;
	(tag) =	ssettag s2;
	_ =	strace s9  }
0x27: {  	s1 =	sld [smem:$0x3F9E]  }
0x28: {  	s2 =	sld [smem:$0x3F9F]  }
0x29: {  	s4 =	sld [smem:$0x3FA1]  }
0x2a: {  	p0 =	seq.s32 s5, $0x0;
	s5 =	sld [smem:$0x3FA2]  }
0x2b: {  	s6 =	sld [smem:$0x3FA3]  }
0x2c: {  	s7 =	sld [smem:$0x3FA4]  }
0x2d: {  	s3 =	simm.s32 $0x108;
	s8 =	sld [smem:$0x3FA5]  }
0x2e: {  	s3 =	simm.s32 @!p0 $0x1082;
	s9 =	sld [smem:$0x3FA6]  }
0x2f: {  	lr =	sadd.s32 s0, s3;
	s0 =	sld [smem:$0x3F9D]  }
0x30: {  	s3 =	sld [smem:$0x3FA0]  }
0x31: {  	[smem:$0x3FA9] =	sst s10  }
0x32: {  	s10 =	sld [smem:$0x3FA7];
	_ =	sdelay $0x3  }
0x33: {  	p0 =	seq.s32 s10, $0x1;
	s10 =	sld [smem:$0x3FA9];
	_ =	sdelay $0x3  }
0x34: {  	[smem:$0x3FA9] =	sst s10  }
0x35: {  	s10 =	sld [smem:$0x3FA8];
	_ =	sdelay $0x3  }
0x36: {  	p1 =	seq.s32 s10, $0x1;
	s10 =	sld [smem:$0x3FA9];
	_ =	sdelay $0x3  }
0x37: {  	[smem:$0x3FA9] =	sst s10  }
0x38: {  	s10 =	sld [smem:$0x3FAA]  }
0x39: {  	_ = 	snop;
	(pc) =	sbr.ind lr, $3  }
0x3a: {  	_ = 	snop  }
0x3b: {  	_ = 	snop  }
0x3c: {  	p2 =	seq.s32 s10, $0x1;
	s10 =	sld [smem:$0x3FA9]  }
0x3d: {  	_ =	shalt  }
0x3e: {  	_ =	shalt  }
0x3f: {  	_ =	shalt  }
0x40: {  	_ =	shalt  }
0x41: {  	_ =	shalt  }
0x42: {  	_ =	shalt  }
0x43: {  	_ =	shalt  }
0x44: {  	_ =	shalt  }
0x45: {  	_ =	shalt  }
0x46: {  	_ =	shalt  }
0x47: {  	_ =	shalt  }
0x48: {  	_ =	shalt  }
0x49: {  	_ =	shalt  }
0x4a: {  	_ =	shalt  }
0x4b: {  	_ =	shalt  }
0x4c: {  	_ =	shalt  }
0x4d: {  	_ =	shalt  }
0x4e: {  	_ =	shalt  }
0x4f: {  	_ =	shalt  }
0x50: {  	_ =	shalt  }
0x51: {  	_ =	shalt  }
0x52: {  	_ =	shalt  }
0x53: {  	_ =	shalt  }
0x54: {  	_ =	shalt  }
0x55: {  	_ =	shalt  }
0x56: {  	_ =	shalt  }
0x57: {  	_ =	shalt  }
0x58: {  	_ =	shalt  }
0x59: {  	_ =	shalt  }
0x5a: {  	_ =	shalt  }
0x5b: {  	_ =	shalt  }
0x5c: {  	_ =	shalt  }
0x5d: {  	_ =	shalt  }
0x5e: {  	_ =	shalt  }
0x5f: {  	_ =	shalt  }
0x60: {  	_ =	shalt  }
0x61: {  	_ =	shalt  }
0x62: {  	_ =	shalt  }
0x63: {  	_ =	shalt  }
0x64: {  	_ =	shalt  }
0x65: {  	_ =	shalt  }
0x66: {  	_ =	shalt  }
0x67: {  	_ =	shalt  }
0x68: {  	_ =	shalt  }
0x69: {  	_ =	shalt  }
0x6a: {  	_ =	shalt  }
0x6b: {  	_ =	shalt  }
0x6c: {  	_ =	shalt  }
0x6d: {  	_ =	shalt  }
0x6e: {  	_ =	shalt  }
0x6f: {  	_ =	shalt  }
0x70: {  	_ =	shalt  }
0x71: {  	_ =	shalt  }
0x72: {  	_ =	shalt  }
0x73: {  	_ =	shalt  }
0x74: {  	_ =	shalt  }
0x75: {  	_ =	shalt  }
0x76: {  	_ =	shalt  }
0x77: {  	_ =	shalt  }
0x78: {  	_ =	shalt  }
0x79: {  	_ =	shalt  }
0x7a: {  	_ =	shalt  }
0x7b: {  	_ =	shalt  }
0x7c: {  	_ =	shalt  }
0x7d: {  	_ =	shalt  }
0x7e: {  	_ =	shalt  }
0x7f: {  	_ =	shalt  }
0x80: {  	_ =	shalt  }
0x81: {  	_ =	shalt  }
0x82: {  	_ =	shalt  }
0x83: {  	_ =	shalt  }
0x84: {  	_ =	shalt  }
0x85: {  	_ =	shalt  }
0x86: {  	_ =	shalt  }
0x87: {  	_ =	shalt  }
.Lfunc_end0:
.L_simem_size_0:
called_computation.1_lowered:
.L_overlay_start_0:
0x88: {  	s2 =	sld [smem:$0x3FD9]  }
0x89: {  	s3 =	sld [smem:$0x3FFE];
	_ =	sdelay $0x1  }
0x8a: {  	s1 =	srdreg.scid  }
0x8b: {  	s0 =	sand.u32 $0x1, s1  }
0x8c: {  	s16 =	sshll.u32 s0, $0xA;
	s2 =	sadd.s32 s3, s2  }
0x8d: {  	s2 =	sadd.s32 s2, s16  }
0x8e: {  	[smem:$0x3FB5] =	sst s2  }
0x8f: {  	_ = 	snop  }
0x90: {  	(tm) =	ssettm $0x1  }
0x91: {  	s17 =	sld [smem:$0x3FFB];
	_ =	sdelay $0x3  }
0x92: {  	_ =	strace s17  }
0x93: {  	s2 =	sld [smem:$0x3FFC];
	_ =	sdelay $0x3  }
0x94: {  	_ =	strace s2  }
0x95: {  	s2 =	sld [smem:$0x3FFD];
	_ =	sdelay $0x3  }
0x96: {  	_ =	strace s2  }
0x97: {  	_ =	strace $0x8FFFFFFF  }
0x98: {  	s18 =	sld [smem:$0x3FDB];
	_ =	sdelay $0x1  }
0x99: {  	s19 =	simm.s32 $_scs_section_size  }
0x9a: {  	s4 =	simm.s32 $_size__tile_overlayer_lowered;
	s5 =	simm.s32 $_tile_overlayer_lowered  }
0x9b: {  	s22 =	simm.s32 $0x1BFF;
	s21 =	sshll.u32 s5, $0x1;
	s2 =	sadd.s32 s19, s18  }
0x9c: {  	s6 =	simm.s32 $0x0;
	s20 =	sshll.u32 s4, $0x1;
	s4 =	sadd.s32 s21, s2  }
0x9d: {  	[timem:s6], [sflag:s22] =	dma.local [hbm:s4], s20  }
0x9e: {  	_ =	swait.ge [sflag:s22], s20  }
0x9f: {  	s3 =	ssub.s32 $0x0, s20;
	[sflag:s22] =	ssyncset.done $0x0  }
0xa0: {  	[sflag:s22] =	ssyncadd.s32 s3;
	_ =	sdelay $0x1  }
0xa1: {  	s23 =	simm.s32 $0x1B8B  }
0xa2: {  	_ =	swait.ge [sflag:s23], $0x1  }
0xa3: {  	[sflag:s23] =	ssyncset.done $0x0  }
0xa4: {  	s25 =	simm.s32 $0x1B8E;
	s24 =	sld [smem:$0x3FFE];
	[sflag:s23] =	ssyncadd.s32 $0xFFFFFFFF  }
0xa5: {  	s26 =	simm.s32 $execute0_lowered;
	[smem:$0x3FD2] =	sst s25  }
0xa6: {  	s4 =	sshll.u32 s26, $0x1;
	_ =	strace $0x80000049;
	[dreg:$0x1] =	wrdreg $0xFFFFFFFF  }
0xa7: {  	s28 =	simm.s32 $_size_execute0_lowered;
	s2 =	sadd.s32 s2, s4;
	[dreg:$0x0] =	wrdreg $0x0  }
0xa8: {  	s4 =	sshll.u32 s28, $0x1;
	[dreg:$0x2] =	wrdreg s2  }
0xa9: {  	[dreg:$0x3] =	wrdreg s4  }
0xaa: {  	[dreg:$0x4] =	wrdreg $0xC0  }
0xab: {  	_ =	task [dreg:s6], $0x5FFFF  }
0xac: {  	[dreg:$0x1] =	wrdreg $0xFFFFFFFF  }
0xad: {  	[dreg:$0x0] =	wrdreg $0x60  }
0xae: {  	[dreg:$0x2] =	wrdreg s24  }
0xaf: {  	[dreg:$0x3] =	wrdreg $0x70000  }
0xb0: {  	[dreg:$0x4] =	wrdreg $0x9  }
0xb1: {  	_ =	task.clear_ibuf [dreg:s6], $0x5FFFF;
	_ =	strace $0x90000049  }
0xb2: {  	s29 =	simm.s32 $0x9;
	_ =	strace $0x8000004B  }
0xb3: {  	_ =	swait.ge [sflag:s29], $0x1  }
0xb4: {  	[sflag:s29] =	ssyncadd.s32 $0xFFFFFFFF  }
0xb5: {  	_ =	strace $0x9000004B  }
0xb6: {  	_ =	sfence  }
0xb7: {  	s30 =	sld [smem:$0x0];
	_ =	sdelay $0x2  }
0xb8: {  	s31 =	sshll.u32 s1, $0xD;
	s1 =	sshrl.u32 s1, $0x2  }
0xb9: {  	s3 =	sand.u32 $0x4000, s31;
	s1 =	sadd.s32 s1, s30  }
0xba: {  	s0 =	sor.u32 s3, s0;
	s1 =	sshll.u32 s1, $0x11  }
0xbb: {  	s0 =	sor.u32 s1, s0  }
0xbc: {  	s0 =	sadd.s32 $0x8F2B, s0  }
0xbd: {  	[sflag:s0] =	ssyncadd.remote.s32 $0x1  }
0xbe: {  	_ =	sfence.sel $0xFFFF  }
0xbf: {  	[dreg:$0x0] =	wrdreg $0xFFFFFFFF;
	(pc) =	sbr.abs _section_cstart, $3  }
0xc0: {  	[dreg:$0x1] =	wrdreg $0xFFFFFFFF  }
0xc1: {  	_ =	task.clear_ibuf [dreg:s6], $0x2FFFF;
	_ =	strace $0x9FFFFFFF  }
0xc2: {  	(tm) =	ssettm $0x7FFFFFFF  }
0xc3: {  	_ =	shalt  }
tec
execute0_lowered:
.L_overlay_start_1:
0x0: {  	(tag) =	ssettag $0x1  }
0x1: {  	s6 =	rddreg [dreg:$0x0]  }
0x2: {  	s0 =	srdreg.scid;
	s2 =	rddreg [dreg:$0x1]  }
0x3: {  	s3 =	simm.s32 $0x0;
	s14 =	simm.s32 $0x80;
	s15 =	simm.s32 $0x5000  }
0x4: {  	s16 =	simm.s32 $0x1;
	s5 =	sand.u32 $0x1, s0;
	s0 =	stileid.u32  }
0x5: {  	s17 =	simm.s32 $0x0;
	[smem:$0x7FF] =	sst s3;
	s8 =	smul.u32 $0x9E00, s0  }
0x6: {  	s4 =	sadd.s32 $0x9D000, s6;
	s1 =	sshll.u32 s5, $0x4;
	s9 =	smul.u32 $0x9E000, s5  }
0x7: {  	s5 =	ssub.s32 $0x2, s5;
	s12 =	sshll.u32 s0, $0x6;
	s1 =	sor.u32 s0, s1  }
0x8: {  	s11 =	sshrl.u32 s5, $0x1;
	s12 =	sor.u32 $0x1C02, s12;
	s7 =	smul.u32 $0x500, s1  }
0x9: {  	s1 =	rddreg [dreg:$0x2];
	_ =	strace $0x8000004A;
	s9 =	sadd.s32 s8, s9  }
0xa: {  	s10 =	sshrl.u32 s8, $0x3;
	s11 =	ssub.s32 s5, s11;
	s13 =	sadd.s32 s8, s2  }
0xb: {  	s9 =	sshrl.u32 s9, $0x3;
	s10 =	sadd.s32 s10, s6;
	s7 =	sadd.s32 s7, s6  }
0xc: {  	s13 =	sshrl.u32 s13, $0x3;
	s9 =	sadd.s32 s9, s6;
	s5 =	sadd.s32 $0x1CE00, s7  }
0xd: {  	s6 =	sadd.s32 $0x3E00, s7;
	s7 =	sadd.s32 $0xB0A00, s10;
	s8 =	sadd.s32 $0xC4600, s9  }
0xe: {  	s9 =	smax.u32 s11, $0x1;
	s10 =	simm.s32 $0x2;
	s11 =	simm.s32 $0x2800  }
.LBB2_1:
0xf: {  	[tilespmem:s3], [sflag:$0x2] =	stream.linear.gather [hbm4b:s5+s3], $0x2800, $0x38;
	[tilespmem:$0x10E00] =	vst v63  }
0x10: {  	_ =	swait.ge [sflag:s10], $0x2800  }
0x11: {  	[sflag:s10] =	ssyncset.done $0x0  }
0x12: {  	[sflag:s10] =	ssyncadd.s32 $0xFFFFD800  }
0x13: {  	[tilespmem:s11], [sflag:$0x2] =	stream.linear.gather [hbm4b:s6+s3], $0x2800, $0x38;
	[tilespmem:$0x10E00] =	vst v63  }
0x14: {  	_ =	swait.ge [sflag:s10], $0x2800  }
0x15: {  	[sflag:s10] =	ssyncset.done $0x0  }
0x16: {  	[sflag:s10] =	ssyncadd.s32 $0xFFFFD800  }
0x17: {  	[spmem:s13], [sflag:s12] =	dma.local [hbm:s7], $0x13C0  }
0x18: {  	_ =	swait.ge [sflag:s10], $0x13C0  }
0x19: {  	[sflag:s10] =	ssyncset.done $0x0  }
0x1a: {  	[sflag:s10] =	ssyncadd.s32 $0xFFFFEC40  }
0x1b: {  	s18 =	simm.s32 $0x0;
	[bflag:$0x0] =	sbarrier.arrive $0xFFFF  }
0x1c: {  	[tilespmem:s15], [sflag:$0x1] =	stream.indirect.gather [hbm4b:s4+s14], $0x40, s18, s14, $0xb8;
	[tilespmem:$0x10E00] =	vst v63  }
0x1d: {  	_ =	swait.ge [sflag:s16], $0x2000  }
0x1e: {  	[sflag:s16] =	ssyncset.done $0x0  }
0x1f: {  	s31 =	simm.s32 $0x2800;
	[sflag:s16] =	ssyncadd.s32 $0xFFFFE000  }
0x20: {  	[spmem:s2] =	stream.indirect.scatter.add.f32 [tilespmem:s15], [sflag:$0x2], $0x40, s31, s14, $0xb8;
	[tilespmem:$0x10E00] =	vst v63  }
0x21: {  	_ =	swait.ge [sflag:s10], $0x2000  }
0x22: {  	s19 =	simm.s32 $0x400;
	s18 =	simm.s32 $0x200;
	[sflag:s10] =	ssyncset.done $0x0  }
.LBB2_2:
0x23: {  	s20 =	sshra.s32 s18, $0x2  }
0x24: {  	[sflag:s10] =	ssyncadd.s32 $0xFFFFE000;
	s18 =	smov.u32 s19;
	s21 =	sadd.s32 $0x200, s19  }
0x25: {  	[tilespmem:s15], [sflag:$0x1] =	stream.indirect.gather [hbm4b:s4+s14], $0x40, s20, s14, $0xb8;
	[tilespmem:$0x10E00] =	vst v63  }
0x26: {  	p0 =	sne.s32 s19, $0x9E00;
	_ =	swait.ge [sflag:s16], $0x2000  }
.Ltmp0:
0x27: {  	[sflag:s16] =	ssyncset.done $0x0;
	(pc) =	sbr.rel @p0 .LBB2_2-.Ltmp0, $4  }
0x28: {  	s19 =	sadd.s32 $0x2800, s20;
	[sflag:s16] =	ssyncadd.s32 $0xFFFFE000  }
0x29: {  	[spmem:s2] =	stream.indirect.scatter.add.f32 [tilespmem:s15], [sflag:$0x2], $0x40, s19, s14, $0xb8;
	[tilespmem:$0x10E00] =	vst v63  }
0x2a: {  	_ =	swait.ge [sflag:s10], $0x2000  }
0x2b: {  	s19 =	smov.u32 s21;
	[sflag:s10] =	ssyncset.done $0x0  }
0x2c: {  	s18 =	sshra.s32 s18, $0x2;
	[sflag:s10] =	ssyncadd.s32 $0xFFFFE000  }
0x2d: {  	[tilespmem:s15], [sflag:$0x1] =	stream.indirect.gather [hbm4b:s4+s14], $0x40, s18, s14, $0xb8;
	[tilespmem:$0x10E00] =	vst v63  }
0x2e: {  	_ =	swait.ge [sflag:s16], $0x2000  }
0x2f: {  	[sflag:s16] =	ssyncset.done $0x0  }
0x30: {  	s18 =	sadd.s32 $0x2800, s18;
	[sflag:s16] =	ssyncadd.s32 $0xFFFFE000  }
0x31: {  	[spmem:s2] =	stream.indirect.scatter.add.f32 [tilespmem:s15], [sflag:$0x2], $0x40, s18, s14, $0xb8;
	[tilespmem:$0x10E00] =	vst v63  }
0x32: {  	_ =	swait.ge [sflag:s10], $0x2000  }
0x33: {  	s17 =	sadd.s32 $0x1, s17;
	[sflag:s10] =	ssyncset.done $0x0  }
0x34: {  	p0 =	sne.s32 s17, s9;
	[sflag:s10] =	ssyncadd.s32 $0xFFFFE000  }
.Ltmp1:
0x35: {  	[bflag:$0x0] =	sbarrier.arrive $0xFFFF;
	(pc) =	sbr.rel @p0 .LBB2_1-.Ltmp1, $4  }
0x36: {  	[hbm:s8], [sflag:s12] =	dma.local [spmem:s13], $0x13C0  }
0x37: {  	_ =	swait.ge [sflag:s10], $0x13C0  }
0x38: {  	[sflag:s10] =	ssyncset.done $0x0  }
0x39: {  	[sflag:s10] =	ssyncadd.s32 $0xFFFFEC40  }
0x3a: {  	_ =	sfence.sel $0x180000  }
0x3b: {  	[bflag:$0x0] =	sbarrier.arrive $0xFFFF  }
0x3c: {  	p0 =	sne.s32 s0, $0x0;
	_ =	strace $0x9000004A  }
0x3d: {  	s0 =	sadd.s32 @!p0 $0x100000, s1;
	[bflag:$0x2] =	sbarrier.arrive $0xFFFF  }
0x3e: {  	[sflag:s0] =	ssyncadd.tile.s32 @!p0 $0x1;
	_ =	shalt  }
.Lfunc_end2:
_tile_overlayer_lowered:
.L_overlay_start_2:
0x3f: {  	(tag) =	ssettag $0x2  }
0x40: {  	s0 =	rddreg [dreg:$0x0];
	s2 =	stileid.u32  }
0x41: {  	s1 =	rddreg [dreg:$0x1];
	p0 =	sne.s32 s2, $0x0  }
0x42: {  	s3 =	rddreg [dreg:$0x2];
	[bflag:$0x3] =	sbarrier.arrive $0xFFFF;
	s2 =	simm.s32 @!p0 $0x1C02  }
0x43: {  	[timem:s3], [sflag:s2] =	dma.local @!p0 [hbm:s0], s1  }
0x44: {  	s0 =	simm.s32 @!p0 $0x2  }
0x45: {  	_ =	swait.ge @!p0 [sflag:s0], s1  }
0x46: {  	s1 =	ssub.s32 @!p0 $0x0, s1;
	[sflag:s0] =	ssyncset.done @!p0 $0x0  }
0x47: {  	[sflag:s0] =	ssyncadd.s32 @!p0 s1  }
0x48: {  	[bflag:$0x3] =	sbarrier.arrive $0xFFFF  }
0x49: {  	_ =	shalt  }

// kernel: kernel.16.cloned.1.call-start
scs
__scs_entry_jumppad:
0x0: {  	(pc) =	sbr.rel $0x88, $3  }
0x1: {  	(tag) =	ssettag $0x0;
	lr =	simm.s32 $0x1  }
0x2: {  	[smem:$0x3F8E] =	sst lr;
	_ =	strace $0xD0000000  }
0x3: {  	_ = 	snop  }
0x4: {  	_ = 	snop  }
0x5: {  	_ = 	snop  }
0x6: {  	_ = 	snop  }
0x7: {  	_ = 	snop  }
__scs_overlays_trampoline_lowered:
0x8: {  	[smem:$0x3F9D] =	sst s0  }
0x9: {  	[smem:$0x3F9E] =	sst s1  }
0xa: {  	[smem:$0x3F9F] =	sst s2  }
0xb: {  	[smem:$0x3FA0] =	sst s3  }
0xc: {  	[smem:$0x3FA1] =	sst s4  }
0xd: {  	[smem:$0x3FA2] =	sst s5  }
0xe: {  	[smem:$0x3FA3] =	sst s6  }
0xf: {  	[smem:$0x3FA4] =	sst s7  }
0x10: {  	[smem:$0x3FA5] =	sst s8  }
0x11: {  	[smem:$0x3FA6] =	sst s9;
	s0 =	simm.s32 @!p0 $0x0  }
0x12: {  	s1 =	sld [smem:$0x3F8C];
	s0 =	simm.s32 @p0 $0x1  }
0x13: {  	[smem:$0x3FA7] =	sst s0;
	s0 =	simm.s32 @!p1 $0x0  }
0x14: {  	s2 =	sld [smem:$0x3F8B];
	s0 =	simm.s32 @p1 $0x1  }
0x15: {  	[smem:$0x3FA8] =	sst s0;
	s0 =	simm.s32 @!p2 $0x0  }
0x16: {  	s3 =	sld [smem:$0x3FDB];
	s0 =	simm.s32 @p2 $0x1  }
0x17: {  	s4 =	simm.s32 $0x1BF5;
	[smem:$0x3FAA] =	sst s0  }
0x18: {  	s0 =	sld [smem:$0x3F8D];
	_ =	swait.ge [sflag:s4], $0x0  }
0x19: {  	s7 =	sld [smem:$0x3F8E]  }
0x1a: {  	s8 =	sadd.s32 $0xFFFFE003, lr  }
0x1b: {  	s9 =	sadd.s32 $0xFFFFFEF7, lr;
	s5 =	simm.s32 $0xFFFFFFFF;
	p2 =	slt.u32 s8, $0xFFFFF086  }
0x1c: {  	p1 =	slt.u32 s9, $0xF7A;
	s5 =	simm.s32 @!p2 $0x0  }
0x1d: {  	s5 =	simm.s32 @p1 $0x1;
	p0 =	seq.s32 s7, s2  }
0x1e: {  	s7 =	smul.u32 @!p0 $0xF7A, s2;
	p2 =	seq.s32 @!p0 s5, $0x0  }
0x1f: {  	s9 =	smul.u32 $0xF7A, s1;
	s8 =	simm.s32 @!p0 $0x1BF5;
	p2 =	por !p2, p0  }
0x20: {  	[sflag:s8] =	ssyncset.s32 @!p0 $0xFFFFF086;
	s6 =	sadd.s32 @!p0 s3, s7;
	s7 =	simm.s32 @!p0 $0x108  }
0x21: {  	s3 =	sadd.s32 s3, s9;
	s6 =	sadd.s32 @!p0 $0x88, s6;
	s7 =	simm.s32 @p2 $0x1082  }
0x22: {  	[simem:s7], [sflag:s8] =	dma.local @!p0 [hbm:s6], $0xF7A  }
0x23: {  	s9 =	sor.u32 $0xD0000000, s2;
	s6 =	simm.s32 $0x108;
	_ =	swait.ge @!p0 [sflag:s8], $0x0  }
0x24: {  	s3 =	sadd.s32 $0x88, s3;
	s6 =	simm.s32 @!p1 $0x1082;
	[sflag:s4] =	ssyncset.s32 $0xFFFFF086  }
0x25: {  	[simem:s6], [sflag:s4] =	dma.local [hbm:s3], $0xF7A  }
0x26: {  	[smem:$0x3F8E] =	sst s1;
	(tag) =	ssettag s2;
	_ =	strace s9  }
0x27: {  	s1 =	sld [smem:$0x3F9E]  }
0x28: {  	s2 =	sld [smem:$0x3F9F]  }
0x29: {  	s4 =	sld [smem:$0x3FA1]  }
0x2a: {  	p0 =	seq.s32 s5, $0x0;
	s5 =	sld [smem:$0x3FA2]  }
0x2b: {  	s6 =	sld [smem:$0x3FA3]  }
0x2c: {  	s7 =	sld [smem:$0x3FA4]  }
0x2d: {  	s3 =	simm.s32 $0x108;
	s8 =	sld [smem:$0x3FA5]  }
0x2e: {  	s3 =	simm.s32 @!p0 $0x1082;
	s9 =	sld [smem:$0x3FA6]  }
0x2f: {  	lr =	sadd.s32 s0, s3;
	s0 =	sld [smem:$0x3F9D]  }
0x30: {  	s3 =	sld [smem:$0x3FA0]  }
0x31: {  	[smem:$0x3FA9] =	sst s10  }
0x32: {  	s10 =	sld [smem:$0x3FA7];
	_ =	sdelay $0x3  }
0x33: {  	p0 =	seq.s32 s10, $0x1;
	s10 =	sld [smem:$0x3FA9];
	_ =	sdelay $0x3  }
0x34: {  	[smem:$0x3FA9] =	sst s10  }
0x35: {  	s10 =	sld [smem:$0x3FA8];
	_ =	sdelay $0x3  }
0x36: {  	p1 =	seq.s32 s10, $0x1;
	s10 =	sld [smem:$0x3FA9];
	_ =	sdelay $0x3  }
0x37: {  	[smem:$0x3FA9] =	sst s10  }
0x38: {  	s10 =	sld [smem:$0x3FAA]  }
0x39: {  	_ = 	snop;
	(pc) =	sbr.ind lr, $3  }
0x3a: {  	_ = 	snop  }
0x3b: {  	_ = 	snop  }
0x3c: {  	p2 =	seq.s32 s10, $0x1;
	s10 =	sld [smem:$0x3FA9]  }
0x3d: {  	_ =	shalt  }
0x3e: {  	_ =	shalt  }
0x3f: {  	_ =	shalt  }
0x40: {  	_ =	shalt  }
0x41: {  	_ =	shalt  }
0x42: {  	_ =	shalt  }
0x43: {  	_ =	shalt  }
0x44: {  	_ =	shalt  }
0x45: {  	_ =	shalt  }
0x46: {  	_ =	shalt  }
0x47: {  	_ =	shalt  }
0x48: {  	_ =	shalt  }
0x49: {  	_ =	shalt  }
0x4a: {  	_ =	shalt  }
0x4b: {  	_ =	shalt  }
0x4c: {  	_ =	shalt  }
0x4d: {  	_ =	shalt  }
0x4e: {  	_ =	shalt  }
0x4f: {  	_ =	shalt  }
0x50: {  	_ =	shalt  }
0x51: {  	_ =	shalt  }
0x52: {  	_ =	shalt  }
0x53: {  	_ =	shalt  }
0x54: {  	_ =	shalt  }
0x55: {  	_ =	shalt  }
0x56: {  	_ =	shalt  }
0x57: {  	_ =	shalt  }
0x58: {  	_ =	shalt  }
0x59: {  	_ =	shalt  }
0x5a: {  	_ =	shalt  }
0x5b: {  	_ =	shalt  }
0x5c: {  	_ =	shalt  }
0x5d: {  	_ =	shalt  }
0x5e: {  	_ =	shalt  }
0x5f: {  	_ =	shalt  }
0x60: {  	_ =	shalt  }
0x61: {  	_ =	shalt  }
0x62: {  	_ =	shalt  }
0x63: {  	_ =	shalt  }
0x64: {  	_ =	shalt  }
0x65: {  	_ =	shalt  }
0x66: {  	_ =	shalt  }
0x67: {  	_ =	shalt  }
0x68: {  	_ =	shalt  }
0x69: {  	_ =	shalt  }
0x6a: {  	_ =	shalt  }
0x6b: {  	_ =	shalt  }
0x6c: {  	_ =	shalt  }
0x6d: {  	_ =	shalt  }
0x6e: {  	_ =	shalt  }
0x6f: {  	_ =	shalt  }
0x70: {  	_ =	shalt  }
0x71: {  	_ =	shalt  }
0x72: {  	_ =	shalt  }
0x73: {  	_ =	shalt  }
0x74: {  	_ =	shalt  }
0x75: {  	_ =	shalt  }
0x76: {  	_ =	shalt  }
0x77: {  	_ =	shalt  }
0x78: {  	_ =	shalt  }
0x79: {  	_ =	shalt  }
0x7a: {  	_ =	shalt  }
0x7b: {  	_ =	shalt  }
0x7c: {  	_ =	shalt  }
0x7d: {  	_ =	shalt  }
0x7e: {  	_ =	shalt  }
0x7f: {  	_ =	shalt  }
0x80: {  	_ =	shalt  }
0x81: {  	_ =	shalt  }
0x82: {  	_ =	shalt  }
0x83: {  	_ =	shalt  }
0x84: {  	_ =	shalt  }
0x85: {  	_ =	shalt  }
0x86: {  	_ =	shalt  }
0x87: {  	_ =	shalt  }
.Lfunc_end0:
.L_simem_size_0:
called_computation.2_lowered:
.L_overlay_start_0:
0x88: {  	s2 =	sld [smem:$0x3FD9]  }
0x89: {  	s3 =	sld [smem:$0x3FFE];
	_ =	sdelay $0x1  }
0x8a: {  	s1 =	srdreg.scid  }
0x8b: {  	s0 =	sand.u32 $0x1, s1  }
0x8c: {  	s16 =	sshll.u32 s0, $0xA;
	s2 =	sadd.s32 s3, s2  }
0x8d: {  	s2 =	sadd.s32 s2, s16  }
0x8e: {  	[smem:$0x3FB5] =	sst s2  }
0x8f: {  	_ = 	snop  }
0x90: {  	(tm) =	ssettm $0x1  }
0x91: {  	s17 =	sld [smem:$0x3FFB];
	_ =	sdelay $0x3  }
0x92: {  	_ =	strace s17  }
0x93: {  	s2 =	sld [smem:$0x3FFC];
	_ =	sdelay $0x3  }
0x94: {  	_ =	strace s2  }
0x95: {  	s2 =	sld [smem:$0x3FFD];
	_ =	sdelay $0x3  }
0x96: {  	_ =	strace s2  }
0x97: {  	_ =	strace $0x8FFFFFFF  }
0x98: {  	s18 =	sld [smem:$0x3FDB];
	_ =	sdelay $0x1  }
0x99: {  	s19 =	simm.s32 $_scs_section_size  }
0x9a: {  	s4 =	simm.s32 $_size__tile_overlayer_lowered;
	s5 =	simm.s32 $_tile_overlayer_lowered  }
0x9b: {  	s22 =	simm.s32 $0x1BFF;
	s21 =	sshll.u32 s5, $0x1;
	s2 =	sadd.s32 s19, s18  }
0x9c: {  	s6 =	simm.s32 $0x0;
	s20 =	sshll.u32 s4, $0x1;
	s4 =	sadd.s32 s21, s2  }
0x9d: {  	[timem:s6], [sflag:s22] =	dma.local [hbm:s4], s20  }
0x9e: {  	_ =	swait.ge [sflag:s22], s20  }
0x9f: {  	s3 =	ssub.s32 $0x0, s20;
	[sflag:s22] =	ssyncset.done $0x0  }
0xa0: {  	[sflag:s22] =	ssyncadd.s32 s3;
	_ =	sdelay $0x1  }
0xa1: {  	s23 =	simm.s32 $0x1B8B  }
0xa2: {  	_ =	swait.ge [sflag:s23], $0x1  }
0xa3: {  	[sflag:s23] =	ssyncset.done $0x0  }
0xa4: {  	s25 =	simm.s32 $0x1B8E;
	s24 =	sld [smem:$0x3FFE];
	[sflag:s23] =	ssyncadd.s32 $0xFFFFFFFF  }
0xa5: {  	s26 =	simm.s32 $execute0_lowered;
	[smem:$0x3FD2] =	sst s25  }
0xa6: {  	s4 =	sshll.u32 s26, $0x1;
	_ =	strace $0x8000004C;
	[dreg:$0x1] =	wrdreg $0xFFFFFFFF  }
0xa7: {  	s28 =	simm.s32 $_size_execute0_lowered;
	s2 =	sadd.s32 s2, s4;
	[dreg:$0x0] =	wrdreg $0x0  }
0xa8: {  	s4 =	sshll.u32 s28, $0x1;
	[dreg:$0x2] =	wrdreg s2  }
0xa9: {  	[dreg:$0x3] =	wrdreg s4  }
0xaa: {  	[dreg:$0x4] =	wrdreg $0xC0  }
0xab: {  	_ =	task [dreg:s6], $0x5FFFF  }
0xac: {  	[dreg:$0x1] =	wrdreg $0xFFFFFFFF  }
0xad: {  	[dreg:$0x0] =	wrdreg $0x60  }
0xae: {  	[dreg:$0x2] =	wrdreg s24  }
0xaf: {  	[dreg:$0x3] =	wrdreg $0x70000  }
0xb0: {  	[dreg:$0x4] =	wrdreg $0x9  }
0xb1: {  	_ =	task.clear_ibuf [dreg:s6], $0x5FFFF;
	_ =	strace $0x9000004C  }
0xb2: {  	s29 =	simm.s32 $0x9;
	_ =	strace $0x8000004E  }
0xb3: {  	_ =	swait.ge [sflag:s29], $0x1  }
0xb4: {  	[sflag:s29] =	ssyncadd.s32 $0xFFFFFFFF  }
0xb5: {  	_ =	strace $0x9000004E  }
0xb6: {  	_ =	sfence  }
0xb7: {  	s30 =	sld [smem:$0x0];
	_ =	sdelay $0x2  }
0xb8: {  	s31 =	sshll.u32 s1, $0xD;
	s1 =	sshrl.u32 s1, $0x2  }
0xb9: {  	s3 =	sand.u32 $0x4000, s31;
	s1 =	sadd.s32 s1, s30  }
0xba: {  	s0 =	sor.u32 s3, s0;
	s1 =	sshll.u32 s1, $0x11  }
0xbb: {  	s0 =	sor.u32 s1, s0  }
0xbc: {  	s0 =	sadd.s32 $0x8F2B, s0  }
0xbd: {  	[sflag:s0] =	ssyncadd.remote.s32 $0x1  }
0xbe: {  	_ =	sfence.sel $0xFFFF  }
0xbf: {  	[dreg:$0x0] =	wrdreg $0xFFFFFFFF;
	(pc) =	sbr.abs _section_cstart, $3  }
0xc0: {  	[dreg:$0x1] =	wrdreg $0xFFFFFFFF  }
0xc1: {  	_ =	task.clear_ibuf [dreg:s6], $0x2FFFF;
	_ =	strace $0x9FFFFFFF  }
0xc2: {  	(tm) =	ssettm $0x7FFFFFFF  }
0xc3: {  	_ =	shalt  }
tec
execute0_lowered:
.L_overlay_start_1:
0x0: {  	(tag) =	ssettag $0x1  }
0x1: {  	s6 =	rddreg [dreg:$0x0]  }
0x2: {  	s0 =	srdreg.scid;
	s2 =	rddreg [dreg:$0x1]  }
0x3: {  	s3 =	simm.s32 $0x0;
	s14 =	simm.s32 $0x80;
	s15 =	simm.s32 $0x5000  }
0x4: {  	s16 =	simm.s32 $0x1;
	s5 =	sand.u32 $0x1, s0;
	s0 =	stileid.u32  }
0x5: {  	s17 =	simm.s32 $0x0;
	[smem:$0x7FF] =	sst s3;
	s8 =	smul.u32 $0x9E00, s0  }
0x6: {  	s4 =	sadd.s32 $0x75E00, s6;
	s1 =	sshll.u32 s5, $0x4;
	s9 =	smul.u32 $0x9E000, s5  }
0x7: {  	s5 =	ssub.s32 $0x2, s5;
	s12 =	sshll.u32 s0, $0x6;
	s1 =	sor.u32 s0, s1  }
0x8: {  	s11 =	sshrl.u32 s5, $0x1;
	s12 =	sor.u32 $0x1C02, s12;
	s7 =	smul.u32 $0x500, s1  }
0x9: {  	s1 =	rddreg [dreg:$0x2];
	_ =	strace $0x8000004D;
	s9 =	sadd.s32 s8, s9  }
0xa: {  	s10 =	sshrl.u32 s8, $0x3;
	s11 =	ssub.s32 s5, s11;
	s13 =	sadd.s32 s8, s2  }
0xb: {  	s9 =	sshrl.u32 s9, $0x3;
	s10 =	sadd.s32 s10, s6;
	s7 =	sadd.s32 s7, s6  }
0xc: {  	s13 =	sshrl.u32 s13, $0x3;
	s9 =	sadd.s32 s9, s6;
	s5 =	sadd.s32 $0x1CE00, s7  }
0xd: {  	s6 =	sadd.s32 $0x3E00, s7;
	s7 =	sadd.s32 $0xB0A00, s10;
	s8 =	sadd.s32 $0xC4600, s9  }
0xe: {  	s9 =	smax.u32 s11, $0x1;
	s10 =	simm.s32 $0x2;
	s11 =	simm.s32 $0x2800  }
.LBB2_1:
0xf: {  	[tilespmem:s3], [sflag:$0x2] =	stream.linear.gather [hbm4b:s5+s3], $0x2800, $0x38;
	[tilespmem:$0x10E00] =	vst v63  }
0x10: {  	_ =	swait.ge [sflag:s10], $0x2800  }
0x11: {  	[sflag:s10] =	ssyncset.done $0x0  }
0x12: {  	[sflag:s10] =	ssyncadd.s32 $0xFFFFD800  }
0x13: {  	[tilespmem:s11], [sflag:$0x2] =	stream.linear.gather [hbm4b:s6+s3], $0x2800, $0x38;
	[tilespmem:$0x10E00] =	vst v63  }
0x14: {  	_ =	swait.ge [sflag:s10], $0x2800  }
0x15: {  	[sflag:s10] =	ssyncset.done $0x0  }
0x16: {  	[sflag:s10] =	ssyncadd.s32 $0xFFFFD800  }
0x17: {  	[spmem:s13], [sflag:s12] =	dma.local [hbm:s7], $0x13C0  }
0x18: {  	_ =	swait.ge [sflag:s10], $0x13C0  }
0x19: {  	[sflag:s10] =	ssyncset.done $0x0  }
0x1a: {  	[sflag:s10] =	ssyncadd.s32 $0xFFFFEC40  }
0x1b: {  	s18 =	simm.s32 $0x0;
	[bflag:$0x0] =	sbarrier.arrive $0xFFFF  }
0x1c: {  	[tilespmem:s15], [sflag:$0x1] =	stream.indirect.gather [hbm4b:s4+s14], $0x40, s18, s14, $0xb8;
	[tilespmem:$0x10E00] =	vst v63  }
0x1d: {  	_ =	swait.ge [sflag:s16], $0x2000  }
0x1e: {  	[sflag:s16] =	ssyncset.done $0x0  }
0x1f: {  	s31 =	simm.s32 $0x2800;
	[sflag:s16] =	ssyncadd.s32 $0xFFFFE000  }
0x20: {  	[spmem:s2] =	stream.indirect.scatter.add.f32 [tilespmem:s15], [sflag:$0x2], $0x40, s31, s14, $0xb8;
	[tilespmem:$0x10E00] =	vst v63  }
0x21: {  	_ =	swait.ge [sflag:s10], $0x2000  }
0x22: {  	s19 =	simm.s32 $0x400;
	s18 =	simm.s32 $0x200;
	[sflag:s10] =	ssyncset.done $0x0  }
.LBB2_2:
0x23: {  	s20 =	sshra.s32 s18, $0x2  }
0x24: {  	[sflag:s10] =	ssyncadd.s32 $0xFFFFE000;
	s18 =	smov.u32 s19;
	s21 =	sadd.s32 $0x200, s19  }
0x25: {  	[tilespmem:s15], [sflag:$0x1] =	stream.indirect.gather [hbm4b:s4+s14], $0x40, s20, s14, $0xb8;
	[tilespmem:$0x10E00] =	vst v63  }
0x26: {  	p0 =	sne.s32 s19, $0x9E00;
	_ =	swait.ge [sflag:s16], $0x2000  }
.Ltmp0:
0x27: {  	[sflag:s16] =	ssyncset.done $0x0;
	(pc) =	sbr.rel @p0 .LBB2_2-.Ltmp0, $4  }
0x28: {  	s19 =	sadd.s32 $0x2800, s20;
	[sflag:s16] =	ssyncadd.s32 $0xFFFFE000  }
0x29: {  	[spmem:s2] =	stream.indirect.scatter.add.f32 [tilespmem:s15], [sflag:$0x2], $0x40, s19, s14, $0xb8;
	[tilespmem:$0x10E00] =	vst v63  }
0x2a: {  	_ =	swait.ge [sflag:s10], $0x2000  }
0x2b: {  	s19 =	smov.u32 s21;
	[sflag:s10] =	ssyncset.done $0x0  }
0x2c: {  	s18 =	sshra.s32 s18, $0x2;
	[sflag:s10] =	ssyncadd.s32 $0xFFFFE000  }
0x2d: {  	[tilespmem:s15], [sflag:$0x1] =	stream.indirect.gather [hbm4b:s4+s14], $0x40, s18, s14, $0xb8;
	[tilespmem:$0x10E00] =	vst v63  }
0x2e: {  	_ =	swait.ge [sflag:s16], $0x2000  }
0x2f: {  	[sflag:s16] =	ssyncset.done $0x0  }
0x30: {  	s18 =	sadd.s32 $0x2800, s18;
	[sflag:s16] =	ssyncadd.s32 $0xFFFFE000  }
0x31: {  	[spmem:s2] =	stream.indirect.scatter.add.f32 [tilespmem:s15], [sflag:$0x2], $0x40, s18, s14, $0xb8;
	[tilespmem:$0x10E00] =	vst v63  }
0x32: {  	_ =	swait.ge [sflag:s10], $0x2000  }
0x33: {  	s17 =	sadd.s32 $0x1, s17;
	[sflag:s10] =	ssyncset.done $0x0  }
0x34: {  	p0 =	sne.s32 s17, s9;
	[sflag:s10] =	ssyncadd.s32 $0xFFFFE000  }
.Ltmp1:
0x35: {  	[bflag:$0x0] =	sbarrier.arrive $0xFFFF;
	(pc) =	sbr.rel @p0 .LBB2_1-.Ltmp1, $4  }
0x36: {  	[hbm:s8], [sflag:s12] =	dma.local [spmem:s13], $0x13C0  }
0x37: {  	_ =	swait.ge [sflag:s10], $0x13C0  }
0x38: {  	[sflag:s10] =	ssyncset.done $0x0  }
0x39: {  	[sflag:s10] =	ssyncadd.s32 $0xFFFFEC40  }
0x3a: {  	_ =	sfence.sel $0x180000  }
0x3b: {  	[bflag:$0x0] =	sbarrier.arrive $0xFFFF  }
0x3c: {  	p0 =	sne.s32 s0, $0x0;
	_ =	strace $0x9000004D  }
0x3d: {  	s0 =	sadd.s32 @!p0 $0x100000, s1;
	[bflag:$0x2] =	sbarrier.arrive $0xFFFF  }
0x3e: {  	[sflag:s0] =	ssyncadd.tile.s32 @!p0 $0x1;
	_ =	shalt  }
.Lfunc_end2:
_tile_overlayer_lowered:
.L_overlay_start_2:
0x3f: {  	(tag) =	ssettag $0x2  }
0x40: {  	s0 =	rddreg [dreg:$0x0];
	s2 =	stileid.u32  }
0x41: {  	s1 =	rddreg [dreg:$0x1];
	p0 =	sne.s32 s2, $0x0  }
0x42: {  	s3 =	rddreg [dreg:$0x2];
	[bflag:$0x3] =	sbarrier.arrive $0xFFFF;
	s2 =	simm.s32 @!p0 $0x1C02  }
0x43: {  	[timem:s3], [sflag:s2] =	dma.local @!p0 [hbm:s0], s1  }
0x44: {  	s0 =	simm.s32 @!p0 $0x2  }
0x45: {  	_ =	swait.ge @!p0 [sflag:s0], s1  }
0x46: {  	s1 =	ssub.s32 @!p0 $0x0, s1;
	[sflag:s0] =	ssyncset.done @!p0 $0x0  }
0x47: {  	[sflag:s0] =	ssyncadd.s32 @!p0 s1  }
0x48: {  	[bflag:$0x3] =	sbarrier.arrive $0xFFFF  }
0x49: {  	_ =	shalt  }

// kernel: kernel.19.cloned.1.call-start
scs
__scs_entry_jumppad:
0x0: {  	(pc) =	sbr.rel $0x88, $3  }
0x1: {  	(tag) =	ssettag $0x0;
	lr =	simm.s32 $0x1  }
0x2: {  	[smem:$0x3F8E] =	sst lr;
	_ =	strace $0xD0000000  }
0x3: {  	_ = 	snop  }
0x4: {  	_ = 	snop  }
0x5: {  	_ = 	snop  }
0x6: {  	_ = 	snop  }
0x7: {  	_ = 	snop  }
__scs_overlays_trampoline_lowered:
0x8: {  	[smem:$0x3F9D] =	sst s0  }
0x9: {  	[smem:$0x3F9E] =	sst s1  }
0xa: {  	[smem:$0x3F9F] =	sst s2  }
0xb: {  	[smem:$0x3FA0] =	sst s3  }
0xc: {  	[smem:$0x3FA1] =	sst s4  }
0xd: {  	[smem:$0x3FA2] =	sst s5  }
0xe: {  	[smem:$0x3FA3] =	sst s6  }
0xf: {  	[smem:$0x3FA4] =	sst s7  }
0x10: {  	[smem:$0x3FA5] =	sst s8  }
0x11: {  	[smem:$0x3FA6] =	sst s9;
	s0 =	simm.s32 @!p0 $0x0  }
0x12: {  	s1 =	sld [smem:$0x3F8C];
	s0 =	simm.s32 @p0 $0x1  }
0x13: {  	[smem:$0x3FA7] =	sst s0;
	s0 =	simm.s32 @!p1 $0x0  }
0x14: {  	s2 =	sld [smem:$0x3F8B];
	s0 =	simm.s32 @p1 $0x1  }
0x15: {  	[smem:$0x3FA8] =	sst s0;
	s0 =	simm.s32 @!p2 $0x0  }
0x16: {  	s3 =	sld [smem:$0x3FDB];
	s0 =	simm.s32 @p2 $0x1  }
0x17: {  	s4 =	simm.s32 $0x1BF5;
	[smem:$0x3FAA] =	sst s0  }
0x18: {  	s0 =	sld [smem:$0x3F8D];
	_ =	swait.ge [sflag:s4], $0x0  }
0x19: {  	s7 =	sld [smem:$0x3F8E]  }
0x1a: {  	s8 =	sadd.s32 $0xFFFFE003, lr  }
0x1b: {  	s9 =	sadd.s32 $0xFFFFFEF7, lr;
	s5 =	simm.s32 $0xFFFFFFFF;
	p2 =	slt.u32 s8, $0xFFFFF086  }
0x1c: {  	p1 =	slt.u32 s9, $0xF7A;
	s5 =	simm.s32 @!p2 $0x0  }
0x1d: {  	s5 =	simm.s32 @p1 $0x1;
	p0 =	seq.s32 s7, s2  }
0x1e: {  	s7 =	smul.u32 @!p0 $0xF7A, s2;
	p2 =	seq.s32 @!p0 s5, $0x0  }
0x1f: {  	s9 =	smul.u32 $0xF7A, s1;
	s8 =	simm.s32 @!p0 $0x1BF5;
	p2 =	por !p2, p0  }
0x20: {  	[sflag:s8] =	ssyncset.s32 @!p0 $0xFFFFF086;
	s6 =	sadd.s32 @!p0 s3, s7;
	s7 =	simm.s32 @!p0 $0x108  }
0x21: {  	s3 =	sadd.s32 s3, s9;
	s6 =	sadd.s32 @!p0 $0x88, s6;
	s7 =	simm.s32 @p2 $0x1082  }
0x22: {  	[simem:s7], [sflag:s8] =	dma.local @!p0 [hbm:s6], $0xF7A  }
0x23: {  	s9 =	sor.u32 $0xD0000000, s2;
	s6 =	simm.s32 $0x108;
	_ =	swait.ge @!p0 [sflag:s8], $0x0  }
0x24: {  	s3 =	sadd.s32 $0x88, s3;
	s6 =	simm.s32 @!p1 $0x1082;
	[sflag:s4] =	ssyncset.s32 $0xFFFFF086  }
0x25: {  	[simem:s6], [sflag:s4] =	dma.local [hbm:s3], $0xF7A  }
0x26: {  	[smem:$0x3F8E] =	sst s1;
	(tag) =	ssettag s2;
	_ =	strace s9  }
0x27: {  	s1 =	sld [smem:$0x3F9E]  }
0x28: {  	s2 =	sld [smem:$0x3F9F]  }
0x29: {  	s4 =	sld [smem:$0x3FA1]  }
0x2a: {  	p0 =	seq.s32 s5, $0x0;
	s5 =	sld [smem:$0x3FA2]  }
0x2b: {  	s6 =	sld [smem:$0x3FA3]  }
0x2c: {  	s7 =	sld [smem:$0x3FA4]  }
0x2d: {  	s3 =	simm.s32 $0x108;
	s8 =	sld [smem:$0x3FA5]  }
0x2e: {  	s3 =	simm.s32 @!p0 $0x1082;
	s9 =	sld [smem:$0x3FA6]  }
0x2f: {  	lr =	sadd.s32 s0, s3;
	s0 =	sld [smem:$0x3F9D]  }
0x30: {  	s3 =	sld [smem:$0x3FA0]  }
0x31: {  	[smem:$0x3FA9] =	sst s10  }
0x32: {  	s10 =	sld [smem:$0x3FA7];
	_ =	sdelay $0x3  }
0x33: {  	p0 =	seq.s32 s10, $0x1;
	s10 =	sld [smem:$0x3FA9];
	_ =	sdelay $0x3  }
0x34: {  	[smem:$0x3FA9] =	sst s10  }
0x35: {  	s10 =	sld [smem:$0x3FA8];
	_ =	sdelay $0x3  }
0x36: {  	p1 =	seq.s32 s10, $0x1;
	s10 =	sld [smem:$0x3FA9];
	_ =	sdelay $0x3  }
0x37: {  	[smem:$0x3FA9] =	sst s10  }
0x38: {  	s10 =	sld [smem:$0x3FAA]  }
0x39: {  	_ = 	snop;
	(pc) =	sbr.ind lr, $3  }
0x3a: {  	_ = 	snop  }
0x3b: {  	_ = 	snop  }
0x3c: {  	p2 =	seq.s32 s10, $0x1;
	s10 =	sld [smem:$0x3FA9]  }
0x3d: {  	_ =	shalt  }
0x3e: {  	_ =	shalt  }
0x3f: {  	_ =	shalt  }
0x40: {  	_ =	shalt  }
0x41: {  	_ =	shalt  }
0x42: {  	_ =	shalt  }
0x43: {  	_ =	shalt  }
0x44: {  	_ =	shalt  }
0x45: {  	_ =	shalt  }
0x46: {  	_ =	shalt  }
0x47: {  	_ =	shalt  }
0x48: {  	_ =	shalt  }
0x49: {  	_ =	shalt  }
0x4a: {  	_ =	shalt  }
0x4b: {  	_ =	shalt  }
0x4c: {  	_ =	shalt  }
0x4d: {  	_ =	shalt  }
0x4e: {  	_ =	shalt  }
0x4f: {  	_ =	shalt  }
0x50: {  	_ =	shalt  }
0x51: {  	_ =	shalt  }
0x52: {  	_ =	shalt  }
0x53: {  	_ =	shalt  }
0x54: {  	_ =	shalt  }
0x55: {  	_ =	shalt  }
0x56: {  	_ =	shalt  }
0x57: {  	_ =	shalt  }
0x58: {  	_ =	shalt  }
0x59: {  	_ =	shalt  }
0x5a: {  	_ =	shalt  }
0x5b: {  	_ =	shalt  }
0x5c: {  	_ =	shalt  }
0x5d: {  	_ =	shalt  }
0x5e: {  	_ =	shalt  }
0x5f: {  	_ =	shalt  }
0x60: {  	_ =	shalt  }
0x61: {  	_ =	shalt  }
0x62: {  	_ =	shalt  }
0x63: {  	_ =	shalt  }
0x64: {  	_ =	shalt  }
0x65: {  	_ =	shalt  }
0x66: {  	_ =	shalt  }
0x67: {  	_ =	shalt  }
0x68: {  	_ =	shalt  }
0x69: {  	_ =	shalt  }
0x6a: {  	_ =	shalt  }
0x6b: {  	_ =	shalt  }
0x6c: {  	_ =	shalt  }
0x6d: {  	_ =	shalt  }
0x6e: {  	_ =	shalt  }
0x6f: {  	_ =	shalt  }
0x70: {  	_ =	shalt  }
0x71: {  	_ =	shalt  }
0x72: {  	_ =	shalt  }
0x73: {  	_ =	shalt  }
0x74: {  	_ =	shalt  }
0x75: {  	_ =	shalt  }
0x76: {  	_ =	shalt  }
0x77: {  	_ =	shalt  }
0x78: {  	_ =	shalt  }
0x79: {  	_ =	shalt  }
0x7a: {  	_ =	shalt  }
0x7b: {  	_ =	shalt  }
0x7c: {  	_ =	shalt  }
0x7d: {  	_ =	shalt  }
0x7e: {  	_ =	shalt  }
0x7f: {  	_ =	shalt  }
0x80: {  	_ =	shalt  }
0x81: {  	_ =	shalt  }
0x82: {  	_ =	shalt  }
0x83: {  	_ =	shalt  }
0x84: {  	_ =	shalt  }
0x85: {  	_ =	shalt  }
0x86: {  	_ =	shalt  }
0x87: {  	_ =	shalt  }
.Lfunc_end0:
.L_simem_size_0:
called_computation.3_lowered:
.L_overlay_start_0:
0x88: {  	s2 =	sld [smem:$0x3FD9]  }
0x89: {  	s3 =	sld [smem:$0x3FFE];
	_ =	sdelay $0x1  }
0x8a: {  	s1 =	srdreg.scid  }
0x8b: {  	s0 =	sand.u32 $0x1, s1  }
0x8c: {  	s16 =	sshll.u32 s0, $0xA;
	s2 =	sadd.s32 s3, s2  }
0x8d: {  	s2 =	sadd.s32 s2, s16  }
0x8e: {  	[smem:$0x3FB5] =	sst s2  }
0x8f: {  	_ = 	snop  }
0x90: {  	(tm) =	ssettm $0x1  }
0x91: {  	s17 =	sld [smem:$0x3FFB];
	_ =	sdelay $0x3  }
0x92: {  	_ =	strace s17  }
0x93: {  	s2 =	sld [smem:$0x3FFC];
	_ =	sdelay $0x3  }
0x94: {  	_ =	strace s2  }
0x95: {  	s2 =	sld [smem:$0x3FFD];
	_ =	sdelay $0x3  }
0x96: {  	_ =	strace s2  }
0x97: {  	_ =	strace $0x8FFFFFFF  }
0x98: {  	s18 =	sld [smem:$0x3FDB];
	_ =	sdelay $0x1  }
0x99: {  	s19 =	simm.s32 $_scs_section_size  }
0x9a: {  	s4 =	simm.s32 $_size__tile_overlayer_lowered;
	s5 =	simm.s32 $_tile_overlayer_lowered  }
0x9b: {  	s22 =	simm.s32 $0x1BFF;
	s21 =	sshll.u32 s5, $0x1;
	s2 =	sadd.s32 s19, s18  }
0x9c: {  	s6 =	simm.s32 $0x0;
	s20 =	sshll.u32 s4, $0x1;
	s4 =	sadd.s32 s21, s2  }
0x9d: {  	[timem:s6], [sflag:s22] =	dma.local [hbm:s4], s20  }
0x9e: {  	_ =	swait.ge [sflag:s22], s20  }
0x9f: {  	s3 =	ssub.s32 $0x0, s20;
	[sflag:s22] =	ssyncset.done $0x0  }
0xa0: {  	[sflag:s22] =	ssyncadd.s32 s3;
	_ =	sdelay $0x1  }
0xa1: {  	s23 =	simm.s32 $0x1B8B  }
0xa2: {  	_ =	swait.ge [sflag:s23], $0x1  }
0xa3: {  	[sflag:s23] =	ssyncset.done $0x0  }
0xa4: {  	s25 =	simm.s32 $0x1B8E;
	s24 =	sld [smem:$0x3FFE];
	[sflag:s23] =	ssyncadd.s32 $0xFFFFFFFF  }
0xa5: {  	s26 =	simm.s32 $execute0_lowered;
	[smem:$0x3FD2] =	sst s25  }
0xa6: {  	s4 =	sshll.u32 s26, $0x1;
	_ =	strace $0x8000004F;
	[dreg:$0x1] =	wrdreg $0xFFFFFFFF  }
0xa7: {  	s28 =	simm.s32 $_size_execute0_lowered;
	s2 =	sadd.s32 s2, s4;
	[dreg:$0x0] =	wrdreg $0x0  }
0xa8: {  	s4 =	sshll.u32 s28, $0x1;
	[dreg:$0x2] =	wrdreg s2  }
0xa9: {  	[dreg:$0x3] =	wrdreg s4  }
0xaa: {  	[dreg:$0x4] =	wrdreg $0xC0  }
0xab: {  	_ =	task [dreg:s6], $0x5FFFF  }
0xac: {  	[dreg:$0x1] =	wrdreg $0xFFFFFFFF  }
0xad: {  	[dreg:$0x0] =	wrdreg $0x60  }
0xae: {  	[dreg:$0x2] =	wrdreg s24  }
0xaf: {  	[dreg:$0x3] =	wrdreg $0x70000  }
0xb0: {  	[dreg:$0x4] =	wrdreg $0x9  }
0xb1: {  	_ =	task.clear_ibuf [dreg:s6], $0x5FFFF;
	_ =	strace $0x9000004F  }
0xb2: {  	s29 =	simm.s32 $0x9;
	_ =	strace $0x80000051  }
0xb3: {  	_ =	swait.ge [sflag:s29], $0x1  }
0xb4: {  	[sflag:s29] =	ssyncadd.s32 $0xFFFFFFFF  }
0xb5: {  	_ =	strace $0x90000051  }
0xb6: {  	_ =	sfence  }
0xb7: {  	s30 =	sld [smem:$0x0];
	_ =	sdelay $0x2  }
0xb8: {  	s31 =	sshll.u32 s1, $0xD;
	s1 =	sshrl.u32 s1, $0x2  }
0xb9: {  	s3 =	sand.u32 $0x4000, s31;
	s1 =	sadd.s32 s1, s30  }
0xba: {  	s0 =	sor.u32 s3, s0;
	s1 =	sshll.u32 s1, $0x11  }
0xbb: {  	s0 =	sor.u32 s1, s0  }
0xbc: {  	s0 =	sadd.s32 $0x8F2B, s0  }
0xbd: {  	[sflag:s0] =	ssyncadd.remote.s32 $0x1  }
0xbe: {  	_ =	sfence.sel $0xFFFF  }
0xbf: {  	[dreg:$0x0] =	wrdreg $0xFFFFFFFF;
	(pc) =	sbr.abs _section_cstart, $3  }
0xc0: {  	[dreg:$0x1] =	wrdreg $0xFFFFFFFF  }
0xc1: {  	_ =	task.clear_ibuf [dreg:s6], $0x2FFFF;
	_ =	strace $0x9FFFFFFF  }
0xc2: {  	(tm) =	ssettm $0x7FFFFFFF  }
0xc3: {  	_ =	shalt  }
tec
execute0_lowered:
.L_overlay_start_1:
0x0: {  	(tag) =	ssettag $0x1  }
0x1: {  	s6 =	rddreg [dreg:$0x0]  }
0x2: {  	s0 =	srdreg.scid;
	s2 =	rddreg [dreg:$0x1]  }
0x3: {  	s3 =	simm.s32 $0x0;
	s14 =	simm.s32 $0x80;
	s15 =	simm.s32 $0x5000  }
0x4: {  	s16 =	simm.s32 $0x1;
	s5 =	sand.u32 $0x1, s0;
	s0 =	stileid.u32  }
0x5: {  	s17 =	simm.s32 $0x0;
	[smem:$0x7FF] =	sst s3;
	s8 =	smul.u32 $0x9E00, s0  }
0x6: {  	s4 =	sadd.s32 $0x75E00, s6;
	s1 =	sshll.u32 s5, $0x4;
	s9 =	smul.u32 $0x9E000, s5  }
0x7: {  	s5 =	ssub.s32 $0x2, s5;
	s12 =	sshll.u32 s0, $0x6;
	s1 =	sor.u32 s0, s1  }
0x8: {  	s11 =	sshrl.u32 s5, $0x1;
	s12 =	sor.u32 $0x1C02, s12;
	s7 =	smul.u32 $0x500, s1  }
0x9: {  	s1 =	rddreg [dreg:$0x2];
	_ =	strace $0x80000050;
	s9 =	sadd.s32 s8, s9  }
0xa: {  	s10 =	sshrl.u32 s8, $0x3;
	s11 =	ssub.s32 s5, s11;
	s13 =	sadd.s32 s8, s2  }
0xb: {  	s9 =	sshrl.u32 s9, $0x3;
	s10 =	sadd.s32 s10, s6;
	s7 =	sadd.s32 s7, s6  }
0xc: {  	s13 =	sshrl.u32 s13, $0x3;
	s9 =	sadd.s32 s9, s6;
	s5 =	sadd.s32 $0x1CE00, s7  }
0xd: {  	s6 =	sadd.s32 $0x3E00, s7;
	s7 =	sadd.s32 $0xB0A00, s10;
	s8 =	sadd.s32 $0xC4600, s9  }
0xe: {  	s9 =	smax.u32 s11, $0x1;
	s10 =	simm.s32 $0x2;
	s11 =	simm.s32 $0x2800  }
.LBB2_1:
0xf: {  	[tilespmem:s3], [sflag:$0x2] =	stream.linear.gather [hbm4b:s5+s3], $0x2800, $0x38;
	[tilespmem:$0x10E00] =	vst v63  }
0x10: {  	_ =	swait.ge [sflag:s10], $0x2800  }
0x11: {  	[sflag:s10] =	ssyncset.done $0x0  }
0x12: {  	[sflag:s10] =	ssyncadd.s32 $0xFFFFD800  }
0x13: {  	[tilespmem:s11], [sflag:$0x2] =	stream.linear.gather [hbm4b:s6+s3], $0x2800, $0x38;
	[tilespmem:$0x10E00] =	vst v63  }
0x14: {  	_ =	swait.ge [sflag:s10], $0x2800  }
0x15: {  	[sflag:s10] =	ssyncset.done $0x0  }
0x16: {  	[sflag:s10] =	ssyncadd.s32 $0xFFFFD800  }
0x17: {  	[spmem:s13], [sflag:s12] =	dma.local [hbm:s7], $0x13C0  }
0x18: {  	_ =	swait.ge [sflag:s10], $0x13C0  }
0x19: {  	[sflag:s10] =	ssyncset.done $0x0  }
0x1a: {  	[sflag:s10] =	ssyncadd.s32 $0xFFFFEC40  }
0x1b: {  	s18 =	simm.s32 $0x0;
	[bflag:$0x0] =	sbarrier.arrive $0xFFFF  }
0x1c: {  	[tilespmem:s15], [sflag:$0x1] =	stream.indirect.gather [hbm4b:s4+s14], $0x40, s18, s14, $0xb8;
	[tilespmem:$0x10E00] =	vst v63  }
0x1d: {  	_ =	swait.ge [sflag:s16], $0x2000  }
0x1e: {  	[sflag:s16] =	ssyncset.done $0x0  }
0x1f: {  	s31 =	simm.s32 $0x2800;
	[sflag:s16] =	ssyncadd.s32 $0xFFFFE000  }
0x20: {  	[spmem:s2] =	stream.indirect.scatter.add.f32 [tilespmem:s15], [sflag:$0x2], $0x40, s31, s14, $0xb8;
	[tilespmem:$0x10E00] =	vst v63  }
0x21: {  	_ =	swait.ge [sflag:s10], $0x2000  }
0x22: {  	s19 =	simm.s32 $0x400;
	s18 =	simm.s32 $0x200;
	[sflag:s10] =	ssyncset.done $0x0  }
.LBB2_2:
0x23: {  	s20 =	sshra.s32 s18, $0x2  }
0x24: {  	[sflag:s10] =	ssyncadd.s32 $0xFFFFE000;
	s18 =	smov.u32 s19;
	s21 =	sadd.s32 $0x200, s19  }
0x25: {  	[tilespmem:s15], [sflag:$0x1] =	stream.indirect.gather [hbm4b:s4+s14], $0x40, s20, s14, $0xb8;
	[tilespmem:$0x10E00] =	vst v63  }
0x26: {  	p0 =	sne.s32 s19, $0x9E00;
	_ =	swait.ge [sflag:s16], $0x2000  }
.Ltmp0:
0x27: {  	[sflag:s16] =	ssyncset.done $0x0;
	(pc) =	sbr.rel @p0 .LBB2_2-.Ltmp0, $4  }
0x28: {  	s19 =	sadd.s32 $0x2800, s20;
	[sflag:s16] =	ssyncadd.s32 $0xFFFFE000  }
0x29: {  	[spmem:s2] =	stream.indirect.scatter.add.f32 [tilespmem:s15], [sflag:$0x2], $0x40, s19, s14, $0xb8;
	[tilespmem:$0x10E00] =	vst v63  }
0x2a: {  	_ =	swait.ge [sflag:s10], $0x2000  }
0x2b: {  	s19 =	smov.u32 s21;
	[sflag:s10] =	ssyncset.done $0x0  }
0x2c: {  	s18 =	sshra.s32 s18, $0x2;
	[sflag:s10] =	ssyncadd.s32 $0xFFFFE000  }
0x2d: {  	[tilespmem:s15], [sflag:$0x1] =	stream.indirect.gather [hbm4b:s4+s14], $0x40, s18, s14, $0xb8;
	[tilespmem:$0x10E00] =	vst v63  }
0x2e: {  	_ =	swait.ge [sflag:s16], $0x2000  }
0x2f: {  	[sflag:s16] =	ssyncset.done $0x0  }
0x30: {  	s18 =	sadd.s32 $0x2800, s18;
	[sflag:s16] =	ssyncadd.s32 $0xFFFFE000  }
0x31: {  	[spmem:s2] =	stream.indirect.scatter.add.f32 [tilespmem:s15], [sflag:$0x2], $0x40, s18, s14, $0xb8;
	[tilespmem:$0x10E00] =	vst v63  }
0x32: {  	_ =	swait.ge [sflag:s10], $0x2000  }
0x33: {  	s17 =	sadd.s32 $0x1, s17;
	[sflag:s10] =	ssyncset.done $0x0  }
0x34: {  	p0 =	sne.s32 s17, s9;
	[sflag:s10] =	ssyncadd.s32 $0xFFFFE000  }
.Ltmp1:
0x35: {  	[bflag:$0x0] =	sbarrier.arrive $0xFFFF;
	(pc) =	sbr.rel @p0 .LBB2_1-.Ltmp1, $4  }
0x36: {  	[hbm:s8], [sflag:s12] =	dma.local [spmem:s13], $0x13C0  }
0x37: {  	_ =	swait.ge [sflag:s10], $0x13C0  }
0x38: {  	[sflag:s10] =	ssyncset.done $0x0  }
0x39: {  	[sflag:s10] =	ssyncadd.s32 $0xFFFFEC40  }
0x3a: {  	_ =	sfence.sel $0x180000  }
0x3b: {  	[bflag:$0x0] =	sbarrier.arrive $0xFFFF  }
0x3c: {  	p0 =	sne.s32 s0, $0x0;
	_ =	strace $0x90000050  }
0x3d: {  	s0 =	sadd.s32 @!p0 $0x100000, s1;
	[bflag:$0x2] =	sbarrier.arrive $0xFFFF  }
0x3e: {  	[sflag:s0] =	ssyncadd.tile.s32 @!p0 $0x1;
	_ =	shalt  }
.Lfunc_end2:
_tile_overlayer_lowered:
.L_overlay_start_2:
0x3f: {  	(tag) =	ssettag $0x2  }
0x40: {  	s0 =	rddreg [dreg:$0x0];
	s2 =	stileid.u32  }
0x41: {  	s1 =	rddreg [dreg:$0x1];
	p0 =	sne.s32 s2, $0x0  }
0x42: {  	s3 =	rddreg [dreg:$0x2];
	[bflag:$0x3] =	sbarrier.arrive $0xFFFF;
	s2 =	simm.s32 @!p0 $0x1C02  }
0x43: {  	[timem:s3], [sflag:s2] =	dma.local @!p0 [hbm:s0], s1  }
0x44: {  	s0 =	simm.s32 @!p0 $0x2  }
0x45: {  	_ =	swait.ge @!p0 [sflag:s0], s1  }
0x46: {  	s1 =	ssub.s32 @!p0 $0x0, s1;
	[sflag:s0] =	ssyncset.done @!p0 $0x0  }
0x47: {  	[sflag:s0] =	ssyncadd.s32 @!p0 s1  }
0x48: {  	[bflag:$0x3] =	sbarrier.arrive $0xFFFF  }
0x49: {  	_ =	shalt  }

</sc_bundles>
